<compile_context>
chip_gen: v7x
topology: tpu7x:2x2x1
jax: 0.10.2.dev20260603
libtpu: 0.0.44.dev20260713+nightly
codegen_flags: <defaults>
</compile_context>

<pallas_src>
import functools

import jax
import jax.numpy as jnp
from jax import lax
from jax.experimental import pallas as pl
from jax.experimental.pallas import tpu as pltpu
from jax.experimental.pallas import tpu_sc as plsc

B = 16384
F = 26
V = 100000
D = 16
H1 = 16
H2 = 32
EPS = 1e-5

total = F * V
BF = B * F
NW = 32
ROWS_W = BF // NW
G = 128
NG = ROWS_W // G
NCHUNK = 8
GPC = NG // NCHUNK
CROWS = GPC * G
NP = 4
BW = B // NW
NWIN = BW // G


def _sc_gather(xi2d, dst2d, xiT2d, emb_w, lin_w):
  mesh = plsc.VectorSubcoreMesh(core_axis_name="c", subcore_axis_name="s")

  @functools.partial(
      pl.kernel,
      out_type=[
          jax.ShapeDtypeStruct((NP * B * 8, D), jnp.float32),
          jax.ShapeDtypeStruct((BF,), jnp.float32),
      ],
      mesh=mesh,
      compiler_params=pltpu.CompilerParams(use_tc_tiling_on_sc=False),
      scratch_types=[
          pltpu.VMEM((NG, G), jnp.int32),
          pltpu.VMEM((NG, G), jnp.int32),
          pltpu.VMEM((NG, G), jnp.int32),
          pltpu.VMEM((CROWS, D), jnp.float32),
          pltpu.VMEM((CROWS,), jnp.float32),
          pltpu.SemaphoreType.DMA,
          pltpu.SemaphoreType.DMA,
          pltpu.SemaphoreType.DMA,
      ],
  )
  def body(xi_hbm, dst_hbm, xiT_hbm, emb_hbm, lin_hbm, p_out, linvT_out,
           xi_v, dst_v, xiT_v, rows_v, lrows_v, sem, sem_s, sem_l):
    wid = lax.axis_index("s") * 2 + lax.axis_index("c")
    pltpu.sync_copy(xi_hbm.at[pl.ds(wid * NG, NG), :], xi_v)
    pltpu.sync_copy(dst_hbm.at[pl.ds(wid * NG, NG), :], dst_v)
    pltpu.sync_copy(xiT_hbm.at[pl.ds(wid * NG, NG), :], xiT_v)

    @pl.loop(0, NCHUNK)
    def _chunk(c):
      lin_gathers = []
      for j in range(GPC):
        cp = pltpu.async_copy(lin_hbm.at[xiT_v.at[c * GPC + j]],
                              lrows_v.at[pl.ds(j * G, G)], sem_l)
        lin_gathers.append(cp)
      gathers = []
      for j in range(GPC):
        cp = pltpu.async_copy(emb_hbm.at[xi_v.at[c * GPC + j]],
                              rows_v.at[pl.ds(j * G, G), :], sem)
        gathers.append(cp)
      scatters = []
      for j in range(GPC):
        gathers[j].wait()
        cp = pltpu.async_copy(rows_v.at[pl.ds(j * G, G), :],
                              p_out.at[dst_v.at[c * GPC + j]], sem_s)
        scatters.append(cp)
      for cp in lin_gathers:
        cp.wait()
      pltpu.sync_copy(lrows_v,
                      linvT_out.at[pl.ds(wid * ROWS_W + c * CROWS, CROWS)])
      for cp in scatters:
        cp.wait()

  return body(xi2d, dst2d, xiT2d, emb_w, lin_w)


def _tc_body(x0_ref, x1_ref, x2_ref, x3_ref, *rest):
  lin_refs = rest[:F]
  (m3_ref, sel_ref, w1_ref, b1_ref, w2_ref, b2_ref, w3_ref, c0_ref,
   out_ref, first_ref) = rest[F:]
  facc = lin_refs[0][...]
  for r in lin_refs[1:]:
    facc = facc + r[...]
  first_ref[...] = facc
  x0, x1, x2 = x0_ref[...], x1_ref[...], x2_ref[...]
  x3 = x3_ref[...] * m3_ref[...]
  sel = sel_ref[...]
  w1 = w1_ref[...]
  f32 = jnp.float32
  s = (jnp.dot(x0, sel[0:128], preferred_element_type=f32)
       + jnp.dot(x1, sel[128:256], preferred_element_type=f32)
       + jnp.dot(x2, sel[256:384], preferred_element_type=f32)
       + jnp.dot(x3, sel[384:512], preferred_element_type=f32))
  sumsq = (jnp.sum(x0 * x0, axis=1, keepdims=True)
           + jnp.sum(x1 * x1, axis=1, keepdims=True)
           + jnp.sum(x2 * x2, axis=1, keepdims=True)
           + jnp.sum(x3 * x3, axis=1, keepdims=True))
  second = 0.5 * (jnp.sum(s * s, axis=1, keepdims=True) - sumsq)
  h = (jnp.dot(x0, w1[0:128], preferred_element_type=f32)
       + jnp.dot(x1, w1[128:256], preferred_element_type=f32)
       + jnp.dot(x2, w1[256:384], preferred_element_type=f32)
       + jnp.dot(x3, w1[384:512], preferred_element_type=f32)
       + b1_ref[...])
  h = jnp.maximum(h, 0.0)
  h = jnp.dot(h, w2_ref[...], preferred_element_type=f32) + b2_ref[...]
  h = jnp.maximum(h, 0.0)
  deep = jnp.dot(h, w3_ref[...], preferred_element_type=f32)
  out_ref[...] = second + deep + c0_ref[0, 0]


def _tc_fused(p2, lin2d, m3, selp, w1p, b1f, w2f, b2f, w3, c0):
  bm = 2048
  nb = B // bm
  lb = bm // 128
  grid = (nb,)
  xspec = lambda r: pl.BlockSpec((bm, 128), lambda i, r=r: (r * nb + i, 0))
  lspec = lambda f: pl.BlockSpec(
      (lb, 128), lambda i, f=f: (f * (B // 128) // lb + i, 0))
  return pl.pallas_call(
      _tc_body,
      grid=grid,
      in_specs=[
          xspec(0), xspec(1), xspec(2), xspec(3),
          *[lspec(f) for f in range(F)],
          pl.BlockSpec((1, 128), lambda i: (0, 0)),
          pl.BlockSpec((NP * 128, D), lambda i: (0, 0)),
          pl.BlockSpec((NP * 128, H1), lambda i: (0, 0)),
          pl.BlockSpec((1, H1), lambda i: (0, 0)),
          pl.BlockSpec((H1, H2), lambda i: (0, 0)),
          pl.BlockSpec((1, H2), lambda i: (0, 0)),
          pl.BlockSpec((H2, 1), lambda i: (0, 0)),
          pl.BlockSpec((1, 1), lambda i: (0, 0)),
      ],
      out_specs=[
          pl.BlockSpec((bm, 1), lambda i: (i, 0)),
          pl.BlockSpec((lb, 128), lambda i: (i, 0)),
      ],
      out_shape=[
          jax.ShapeDtypeStruct((B, 1), jnp.float32),
          jax.ShapeDtypeStruct((B // 128, 128), jnp.float32),
      ],
  )(p2, p2, p2, p2, *([lin2d] * F), m3, selp, w1p, b1f, w2f, b2f, w3, c0)


def kernel(x, emb_w, lin_w, lin_b, W1, b1, g1, be1, rm1, rv1, W2, b2, g2, be2,
           rm2, rv2, W3, b3):
  offsets = (jnp.arange(F, dtype=x.dtype) * V)[None, :]
  xi = x + offsets
  xi2d = xi.reshape(BF // G, G)
  ar = jnp.arange(BF, dtype=jnp.int32)
  bb, ff = ar // F, ar % F
  dst2d = ((ff // 8) * (B * 8) + bb * 8 + (ff % 8)).reshape(BF // G, G)
  xiT2d = xi.T.reshape(BF // G, G)

  p16, linvT = _sc_gather(xi2d, dst2d, xiT2d, emb_w, lin_w.reshape(total))
  p2 = p16.reshape(NP * B, 128)
  lin2d = linvT.reshape(BF // G, G)

  inv1 = g1 / jnp.sqrt(rv1 + EPS)
  w1p = jnp.zeros((NP * 128, H1), jnp.float32).at[: F * D].set(
      W1 * inv1[None, :])
  b1f = ((b1 - rm1) * inv1 + be1)[None, :]
  inv2 = g2 / jnp.sqrt(rv2 + EPS)
  w2f = W2 * inv2[None, :]
  b2f = ((b2 - rm2) * inv2 + be2)[None, :]
  selp = jnp.zeros((NP * 128, D), jnp.float32).at[: F * D].set(
      jnp.tile(jnp.eye(D, dtype=jnp.float32), (F, 1)))
  m3 = (jnp.arange(128) < 32).astype(jnp.float32)[None, :]
  c0 = b3.reshape(1, 1)

  out, first = _tc_fused(p2, lin2d, m3, selp, w1p, b1f, w2f, b2f, W3, c0)
  return out.reshape(B) + first.reshape(B) + lin_b[0]

# --- scband reference (transcript-rebuilt; emitter-appended) ---
"""Pipeline reference for scband-deep-fm-32521492365443 (READ-ONLY COPY).

The authoritative reference and input builder live on the scoring server;
editing this copy changes nothing except your own understanding.
"""

import jax, jax.numpy as jnp
import numpy as np

B = 16384
F = 26
V = 100000
D = 16
H1 = 16
H2 = 32
EPS = 1e-5


def setup_inputs(seed: int = 0) -> dict:
    key = jax.random.key(seed)
    ks = jax.random.split(key, 8)
    total = F * V
    x = jax.random.randint(ks[0], (B, F), 0, V, dtype=jnp.int32)
    emb_w = jax.random.normal(ks[1], (total, D), dtype=jnp.float32) * 0.01
    lin_w = jax.random.normal(ks[2], (total, 1), dtype=jnp.float32) * 0.01
    lin_b = jnp.zeros((1,), dtype=jnp.float32)
    W1 = jax.random.normal(ks[3], (F * D, H1), dtype=jnp.float32) * 0.05
    b1 = jnp.zeros((H1,), dtype=jnp.float32)
    g1 = jnp.ones((H1,), dtype=jnp.float32)
    be1 = jnp.zeros((H1,), dtype=jnp.float32)
    rm1 = jnp.zeros((H1,), dtype=jnp.float32)
    rv1 = jnp.ones((H1,), dtype=jnp.float32)
    W2 = jax.random.normal(ks[4], (H1, H2), dtype=jnp.float32) * 0.05
    b2 = jnp.zeros((H2,), dtype=jnp.float32)
    g2 = jnp.ones((H2,), dtype=jnp.float32)
    be2 = jnp.zeros((H2,), dtype=jnp.float32)
    rm2 = jnp.zeros((H2,), dtype=jnp.float32)
    rv2 = jnp.ones((H2,), dtype=jnp.float32)
    W3 = jax.random.normal(ks[5], (H2, 1), dtype=jnp.float32) * 0.05
    b3 = jnp.zeros((1,), dtype=jnp.float32)
    return {"x": x, "emb_w": emb_w, "lin_w": lin_w, "lin_b": lin_b,
            "W1": W1, "b1": b1, "g1": g1, "be1": be1, "rm1": rm1, "rv1": rv1,
            "W2": W2, "b2": b2, "g2": g2, "be2": be2, "rm2": rm2, "rv2": rv2,
            "W3": W3, "b3": b3}


def reference(x, emb_w, lin_w, lin_b, W1, b1, g1, be1, rm1, rv1, W2, b2, g2, be2, rm2, rv2, W3, b3):
    offsets = (jnp.arange(F, dtype=x.dtype) * V)[None, :]
    xi = x + offsets
    # FeaturesLinear: first-order term
    first = jnp.take(lin_w, xi, axis=0).sum(axis=1) + lin_b  # [B, 1]
    first = first.squeeze(1)
    # FeaturesEmbedding
    e = jnp.take(emb_w, xi, axis=0)  # [B, F, D]
    # FMLayer_Dense: 0.5 * (square_of_sum - sum_of_square) summed over embed dim
    square_of_sum = jnp.sum(e, axis=1) ** 2  # [B, D]
    sum_of_square = jnp.sum(e ** 2, axis=1)  # [B, D]
    second = 0.5 * jnp.sum(square_of_sum - sum_of_square, axis=1)  # [B]
    # MLP_Base (batchnorm in eval mode, dropout identity)
    h = e.reshape(e.shape[0], F * D)
    h = h @ W1 + b1
    h = (h - rm1) / jnp.sqrt(rv1 + EPS) * g1 + be1
    h = jax.nn.relu(h)
    h = h @ W2 + b2
    h = (h - rm2) / jnp.sqrt(rv2 + EPS) * g2 + be2
    h = jax.nn.relu(h)
    deep = (h @ W3 + b3).squeeze(1)  # [B]
    return first + second + deep

if __name__ == "__main__":
    import jax
    _d = setup_inputs()
    print(jax.jit(kernel)(*tuple(_d.values())))

</pallas_src>

<mosaic_0001>
#map = affine_map<(d0, d1) -> (0, 0)>
#map1 = affine_map<(d0, d1) -> (0)>
module attributes {stable_mosaic.version = 14 : i64} {
  func.func @body(%arg0: i32, %arg1: i32, %arg2: memref<3328x128xi32, #tpu.memory_space<hbm>>, %arg3: memref<3328x128xi32, #tpu.memory_space<hbm>>, %arg4: memref<3328x128xi32, #tpu.memory_space<hbm>>, %arg5: memref<2600000x16xf32, #tpu.memory_space<hbm>>, %arg6: memref<2600000xf32, #tpu.memory_space<hbm>>, %arg7: memref<524288x16xf32, #tpu.memory_space<hbm>>, %arg8: memref<425984xf32, #tpu.memory_space<hbm>>, %arg9: memref<104x128xi32, #tpu.memory_space<vmem>>, %arg10: memref<104x128xi32, #tpu.memory_space<vmem>>, %arg11: memref<104x128xi32, #tpu.memory_space<vmem>>, %arg12: memref<1664x16xf32, #tpu.memory_space<vmem>>, %arg13: memref<1664xf32, #tpu.memory_space<vmem>>, %arg14: memref<!tpu.dma_semaphore, #tpu.memory_space<semaphore_mem>>, %arg15: memref<!tpu.dma_semaphore, #tpu.memory_space<semaphore_mem>>, %arg16: memref<!tpu.dma_semaphore, #tpu.memory_space<semaphore_mem>>) attributes {dimension_semantics = [#tpu.dimension_semantics<core_parallel>, #tpu.dimension_semantics<subcore_parallel>], iteration_bounds = array<i64: 2, 16>, scalar_prefetch = 0 : i64, scratch_operands = 8 : i64, tpu.core_type = #tpu.core_type<sc_vector_subcore>, window_params = [{transform_indices = #map}, {transform_indices = #map}, {transform_indices = #map}, {transform_indices = #map}, {transform_indices = #map1}, {transform_indices = #map}, {transform_indices = #map1}]} {
    %mul3A = arith.constant 2 : i32
    %mul3A_0 = arith.muli %arg1, %mul3A : i32
    %add3A = arith.addi %mul3A_0, %arg0 : i32
    %mul3A_1 = arith.constant 104 : i32
    %mul3A_2 = arith.muli %add3A, %mul3A_1 : i32
    "tpu.region"() ({
      %run_scoped3A = tpu.sem_alloc : memref<!tpu.dma_semaphore, #tpu.memory_space<semaphore_mem>>
      %dma_start3A = arith.constant 0 : i32
      %dma_start3A_11 = tpu.memref_slice %arg2[%mul3A_2, %dma_start3A] : memref<3328x128xi32, #tpu.memory_space<hbm>> -> memref<104x128xi32, #tpu.memory_space<hbm>>
      %dma_start3A_12 = arith.constant 0 : i32
      %dma_start3A_13 = tpu.memref_slice %arg2[%mul3A_2, %dma_start3A_12] : memref<3328x128xi32, #tpu.memory_space<hbm>> -> memref<104x128xi32, #tpu.memory_space<hbm>>
      tpu.enqueue_dma source(%dma_start3A_13 : memref<104x128xi32, #tpu.memory_space<hbm>>) target(%arg9 : memref<104x128xi32, #tpu.memory_space<vmem>>) target_semaphore(%run_scoped3A : memref<!tpu.dma_semaphore, #tpu.memory_space<semaphore_mem>>)
      %dma_wait3A = arith.constant 0 : i32
      %dma_wait3A_14 = tpu.memref_slice %arg2[%mul3A_2, %dma_wait3A] : memref<3328x128xi32, #tpu.memory_space<hbm>> -> memref<104x128xi32, #tpu.memory_space<hbm>>
      %dma_wait3A_15 = arith.constant 0 : i32
      %dma_wait3A_16 = tpu.memref_slice %arg2[%mul3A_2, %dma_wait3A_15] : memref<3328x128xi32, #tpu.memory_space<hbm>> -> memref<104x128xi32, #tpu.memory_space<hbm>>
      tpu.wait_dma2 semaphore(%run_scoped3A : memref<!tpu.dma_semaphore, #tpu.memory_space<semaphore_mem>>) src(%dma_wait3A_16 : memref<104x128xi32, #tpu.memory_space<hbm>>) dst(%arg9 : memref<104x128xi32, #tpu.memory_space<vmem>>)
      tpu.yield
    }) : () -> ()
    %mul3A_3 = arith.constant 104 : i32
    %mul3A_4 = arith.muli %add3A, %mul3A_3 : i32
    "tpu.region"() ({
      %run_scoped3A = tpu.sem_alloc : memref<!tpu.dma_semaphore, #tpu.memory_space<semaphore_mem>>
      %dma_start3A = arith.constant 0 : i32
      %dma_start3A_11 = tpu.memref_slice %arg3[%mul3A_4, %dma_start3A] : memref<3328x128xi32, #tpu.memory_space<hbm>> -> memref<104x128xi32, #tpu.memory_space<hbm>>
      %dma_start3A_12 = arith.constant 0 : i32
      %dma_start3A_13 = tpu.memref_slice %arg3[%mul3A_4, %dma_start3A_12] : memref<3328x128xi32, #tpu.memory_space<hbm>> -> memref<104x128xi32, #tpu.memory_space<hbm>>
      tpu.enqueue_dma source(%dma_start3A_13 : memref<104x128xi32, #tpu.memory_space<hbm>>) target(%arg10 : memref<104x128xi32, #tpu.memory_space<vmem>>) target_semaphore(%run_scoped3A : memref<!tpu.dma_semaphore, #tpu.memory_space<semaphore_mem>>)
      %dma_wait3A = arith.constant 0 : i32
      %dma_wait3A_14 = tpu.memref_slice %arg3[%mul3A_4, %dma_wait3A] : memref<3328x128xi32, #tpu.memory_space<hbm>> -> memref<104x128xi32, #tpu.memory_space<hbm>>
      %dma_wait3A_15 = arith.constant 0 : i32
      %dma_wait3A_16 = tpu.memref_slice %arg3[%mul3A_4, %dma_wait3A_15] : memref<3328x128xi32, #tpu.memory_space<hbm>> -> memref<104x128xi32, #tpu.memory_space<hbm>>
      tpu.wait_dma2 semaphore(%run_scoped3A : memref<!tpu.dma_semaphore, #tpu.memory_space<semaphore_mem>>) src(%dma_wait3A_16 : memref<104x128xi32, #tpu.memory_space<hbm>>) dst(%arg10 : memref<104x128xi32, #tpu.memory_space<vmem>>)
      tpu.yield
    }) : () -> ()
    %mul3A_5 = arith.constant 104 : i32
    %mul3A_6 = arith.muli %add3A, %mul3A_5 : i32
    "tpu.region"() ({
      %run_scoped3A = tpu.sem_alloc : memref<!tpu.dma_semaphore, #tpu.memory_space<semaphore_mem>>
      %dma_start3A = arith.constant 0 : i32
      %dma_start3A_11 = tpu.memref_slice %arg4[%mul3A_6, %dma_start3A] : memref<3328x128xi32, #tpu.memory_space<hbm>> -> memref<104x128xi32, #tpu.memory_space<hbm>>
      %dma_start3A_12 = arith.constant 0 : i32
      %dma_start3A_13 = tpu.memref_slice %arg4[%mul3A_6, %dma_start3A_12] : memref<3328x128xi32, #tpu.memory_space<hbm>> -> memref<104x128xi32, #tpu.memory_space<hbm>>
      tpu.enqueue_dma source(%dma_start3A_13 : memref<104x128xi32, #tpu.memory_space<hbm>>) target(%arg11 : memref<104x128xi32, #tpu.memory_space<vmem>>) target_semaphore(%run_scoped3A : memref<!tpu.dma_semaphore, #tpu.memory_space<semaphore_mem>>)
      %dma_wait3A = arith.constant 0 : i32
      %dma_wait3A_14 = tpu.memref_slice %arg4[%mul3A_6, %dma_wait3A] : memref<3328x128xi32, #tpu.memory_space<hbm>> -> memref<104x128xi32, #tpu.memory_space<hbm>>
      %dma_wait3A_15 = arith.constant 0 : i32
      %dma_wait3A_16 = tpu.memref_slice %arg4[%mul3A_6, %dma_wait3A_15] : memref<3328x128xi32, #tpu.memory_space<hbm>> -> memref<104x128xi32, #tpu.memory_space<hbm>>
      tpu.wait_dma2 semaphore(%run_scoped3A : memref<!tpu.dma_semaphore, #tpu.memory_space<semaphore_mem>>) src(%dma_wait3A_16 : memref<104x128xi32, #tpu.memory_space<hbm>>) dst(%arg11 : memref<104x128xi32, #tpu.memory_space<vmem>>)
      tpu.yield
    }) : () -> ()
    %scan3A = arith.constant 0 : i32
    %scan3A_7 = arith.constant 8 : i32
    %scan3A_8 = arith.addi %scan3A, %scan3A_7 : i32
    %scan3A_9 = arith.constant 1 : i32
    scf.for %scan3A_11 = %scan3A to %scan3A_8 step %scan3A_9  : i32 {
      %mul3A_12 = arith.constant 1 : i32
      %mul3A_13 = arith.muli %scan3A_11, %mul3A_12 : i32
      %add3A_14 = arith.constant 0 : i32
      %add3A_15 = arith.addi %add3A_14, %mul3A_13 : i32
      %mul3A_16 = arith.constant 13 : i32
      %mul3A_17 = arith.muli %add3A_15, %mul3A_16 : i32
      %add3A_18 = arith.constant 0 : i32
      %add3A_19 = arith.addi %mul3A_17, %add3A_18 : i32
      %dma_start3A = arith.constant 0 : i32
      %dma_start3A_20 = tpu.memref_slice %arg13[%dma_start3A] : memref<1664xf32, #tpu.memory_space<vmem>> -> memref<128xf32, #tpu.memory_space<vmem>>
      %dma_start3A_21 = arith.constant 0 : i32
      %dma_start3A_22 = tpu.memref_slice %arg11[%add3A_19, %dma_start3A_21] : memref<104x128xi32, #tpu.memory_space<vmem>> -> memref<1x128xi32, #tpu.memory_space<vmem>>
      %dma_start3A_23 = tpu.memref_squeeze %dma_start3A_22 : memref<1x128xi32, #tpu.memory_space<vmem>> -> memref<128xi32, #tpu.memory_space<vmem>>
      %dma_start3A_24 = arith.constant 0 : i32
      %dma_start3A_25 = tpu.memref_slice %arg6[%dma_start3A_24] : memref<2600000xf32, #tpu.memory_space<hbm>> -> memref<2600000xf32, #tpu.memory_space<hbm>>
      tpu.enqueue_indirect_dma source(%dma_start3A_25 : memref<2600000xf32, #tpu.memory_space<hbm>>) target(%dma_start3A_20 : memref<128xf32, #tpu.memory_space<vmem>>) offsets(%dma_start3A_23 : memref<128xi32, #tpu.memory_space<vmem>>) semaphore(%arg16 : memref<!tpu.dma_semaphore, #tpu.memory_space<semaphore_mem>>)
      %mul3A_26 = arith.constant 13 : i32
      %mul3A_27 = arith.muli %add3A_15, %mul3A_26 : i32
      %add3A_28 = arith.constant 1 : i32
      %add3A_29 = arith.addi %mul3A_27, %add3A_28 : i32
      %dma_start3A_30 = arith.constant 128 : i32
      %dma_start3A_31 = tpu.memref_slice %arg13[%dma_start3A_30] : memref<1664xf32, #tpu.memory_space<vmem>> -> memref<128xf32, #tpu.memory_space<vmem>>
      %dma_start3A_32 = arith.constant 0 : i32
      %dma_start3A_33 = tpu.memref_slice %arg11[%add3A_29, %dma_start3A_32] : memref<104x128xi32, #tpu.memory_space<vmem>> -> memref<1x128xi32, #tpu.memory_space<vmem>>
      %dma_start3A_34 = tpu.memref_squeeze %dma_start3A_33 : memref<1x128xi32, #tpu.memory_space<vmem>> -> memref<128xi32, #tpu.memory_space<vmem>>
      %dma_start3A_35 = arith.constant 0 : i32
      %dma_start3A_36 = tpu.memref_slice %arg6[%dma_start3A_35] : memref<2600000xf32, #tpu.memory_space<hbm>> -> memref<2600000xf32, #tpu.memory_space<hbm>>
      tpu.enqueue_indirect_dma source(%dma_start3A_36 : memref<2600000xf32, #tpu.memory_space<hbm>>) target(%dma_start3A_31 : memref<128xf32, #tpu.memory_space<vmem>>) offsets(%dma_start3A_34 : memref<128xi32, #tpu.memory_space<vmem>>) semaphore(%arg16 : memref<!tpu.dma_semaphore, #tpu.memory_space<semaphore_mem>>)
      %mul3A_37 = arith.constant 13 : i32
      %mul3A_38 = arith.muli %add3A_15, %mul3A_37 : i32
      %add3A_39 = arith.constant 2 : i32
      %add3A_40 = arith.addi %mul3A_38, %add3A_39 : i32
      %dma_start3A_41 = arith.constant 256 : i32
      %dma_start3A_42 = tpu.memref_slice %arg13[%dma_start3A_41] : memref<1664xf32, #tpu.memory_space<vmem>> -> memref<128xf32, #tpu.memory_space<vmem>>
      %dma_start3A_43 = arith.constant 0 : i32
      %dma_start3A_44 = tpu.memref_slice %arg11[%add3A_40, %dma_start3A_43] : memref<104x128xi32, #tpu.memory_space<vmem>> -> memref<1x128xi32, #tpu.memory_space<vmem>>
      %dma_start3A_45 = tpu.memref_squeeze %dma_start3A_44 : memref<1x128xi32, #tpu.memory_space<vmem>> -> memref<128xi32, #tpu.memory_space<vmem>>
      %dma_start3A_46 = arith.constant 0 : i32
      %dma_start3A_47 = tpu.memref_slice %arg6[%dma_start3A_46] : memref<2600000xf32, #tpu.memory_space<hbm>> -> memref<2600000xf32, #tpu.memory_space<hbm>>
      tpu.enqueue_indirect_dma source(%dma_start3A_47 : memref<2600000xf32, #tpu.memory_space<hbm>>) target(%dma_start3A_42 : memref<128xf32, #tpu.memory_space<vmem>>) offsets(%dma_start3A_45 : memref<128xi32, #tpu.memory_space<vmem>>) semaphore(%arg16 : memref<!tpu.dma_semaphore, #tpu.memory_space<semaphore_mem>>)
      %mul3A_48 = arith.constant 13 : i32
      %mul3A_49 = arith.muli %add3A_15, %mul3A_48 : i32
      %add3A_50 = arith.constant 3 : i32
      %add3A_51 = arith.addi %mul3A_49, %add3A_50 : i32
      %dma_start3A_52 = arith.constant 384 : i32
      %dma_start3A_53 = tpu.memref_slice %arg13[%dma_start3A_52] : memref<1664xf32, #tpu.memory_space<vmem>> -> memref<128xf32, #tpu.memory_space<vmem>>
      %dma_start3A_54 = arith.constant 0 : i32
      %dma_start3A_55 = tpu.memref_slice %arg11[%add3A_51, %dma_start3A_54] : memref<104x128xi32, #tpu.memory_space<vmem>> -> memref<1x128xi32, #tpu.memory_space<vmem>>
      %dma_start3A_56 = tpu.memref_squeeze %dma_start3A_55 : memref<1x128xi32, #tpu.memory_space<vmem>> -> memref<128xi32, #tpu.memory_space<vmem>>
      %dma_start3A_57 = arith.constant 0 : i32
      %dma_start3A_58 = tpu.memref_slice %arg6[%dma_start3A_57] : memref<2600000xf32, #tpu.memory_space<hbm>> -> memref<2600000xf32, #tpu.memory_space<hbm>>
      tpu.enqueue_indirect_dma source(%dma_start3A_58 : memref<2600000xf32, #tpu.memory_space<hbm>>) target(%dma_start3A_53 : memref<128xf32, #tpu.memory_space<vmem>>) offsets(%dma_start3A_56 : memref<128xi32, #tpu.memory_space<vmem>>) semaphore(%arg16 : memref<!tpu.dma_semaphore, #tpu.memory_space<semaphore_mem>>)
      %mul3A_59 = arith.constant 13 : i32
      %mul3A_60 = arith.muli %add3A_15, %mul3A_59 : i32
      %add3A_61 = arith.constant 4 : i32
      %add3A_62 = arith.addi %mul3A_60, %add3A_61 : i32
      %dma_start3A_63 = arith.constant 512 : i32
      %dma_start3A_64 = tpu.memref_slice %arg13[%dma_start3A_63] : memref<1664xf32, #tpu.memory_space<vmem>> -> memref<128xf32, #tpu.memory_space<vmem>>
      %dma_start3A_65 = arith.constant 0 : i32
      %dma_start3A_66 = tpu.memref_slice %arg11[%add3A_62, %dma_start3A_65] : memref<104x128xi32, #tpu.memory_space<vmem>> -> memref<1x128xi32, #tpu.memory_space<vmem>>
      %dma_start3A_67 = tpu.memref_squeeze %dma_start3A_66 : memref<1x128xi32, #tpu.memory_space<vmem>> -> memref<128xi32, #tpu.memory_space<vmem>>
      %dma_start3A_68 = arith.constant 0 : i32
      %dma_start3A_69 = tpu.memref_slice %arg6[%dma_start3A_68] : memref<2600000xf32, #tpu.memory_space<hbm>> -> memref<2600000xf32, #tpu.memory_space<hbm>>
      tpu.enqueue_indirect_dma source(%dma_start3A_69 : memref<2600000xf32, #tpu.memory_space<hbm>>) target(%dma_start3A_64 : memref<128xf32, #tpu.memory_space<vmem>>) offsets(%dma_start3A_67 : memref<128xi32, #tpu.memory_space<vmem>>) semaphore(%arg16 : memref<!tpu.dma_semaphore, #tpu.memory_space<semaphore_mem>>)
      %mul3A_70 = arith.constant 13 : i32
      %mul3A_71 = arith.muli %add3A_15, %mul3A_70 : i32
      %add3A_72 = arith.constant 5 : i32
      %add3A_73 = arith.addi %mul3A_71, %add3A_72 : i32
      %dma_start3A_74 = arith.constant 640 : i32
      %dma_start3A_75 = tpu.memref_slice %arg13[%dma_start3A_74] : memref<1664xf32, #tpu.memory_space<vmem>> -> memref<128xf32, #tpu.memory_space<vmem>>
      %dma_start3A_76 = arith.constant 0 : i32
      %dma_start3A_77 = tpu.memref_slice %arg11[%add3A_73, %dma_start3A_76] : memref<104x128xi32, #tpu.memory_space<vmem>> -> memref<1x128xi32, #tpu.memory_space<vmem>>
      %dma_start3A_78 = tpu.memref_squeeze %dma_start3A_77 : memref<1x128xi32, #tpu.memory_space<vmem>> -> memref<128xi32, #tpu.memory_space<vmem>>
      %dma_start3A_79 = arith.constant 0 : i32
      %dma_start3A_80 = tpu.memref_slice %arg6[%dma_start3A_79] : memref<2600000xf32, #tpu.memory_space<hbm>> -> memref<2600000xf32, #tpu.memory_space<hbm>>
      tpu.enqueue_indirect_dma source(%dma_start3A_80 : memref<2600000xf32, #tpu.memory_space<hbm>>) target(%dma_start3A_75 : memref<128xf32, #tpu.memory_space<vmem>>) offsets(%dma_start3A_78 : memref<128xi32, #tpu.memory_space<vmem>>) semaphore(%arg16 : memref<!tpu.dma_semaphore, #tpu.memory_space<semaphore_mem>>)
      %mul3A_81 = arith.constant 13 : i32
      %mul3A_82 = arith.muli %add3A_15, %mul3A_81 : i32
      %add3A_83 = arith.constant 6 : i32
      %add3A_84 = arith.addi %mul3A_82, %add3A_83 : i32
      %dma_start3A_85 = arith.constant 768 : i32
      %dma_start3A_86 = tpu.memref_slice %arg13[%dma_start3A_85] : memref<1664xf32, #tpu.memory_space<vmem>> -> memref<128xf32, #tpu.memory_space<vmem>>
      %dma_start3A_87 = arith.constant 0 : i32
      %dma_start3A_88 = tpu.memref_slice %arg11[%add3A_84, %dma_start3A_87] : memref<104x128xi32, #tpu.memory_space<vmem>> -> memref<1x128xi32, #tpu.memory_space<vmem>>
      %dma_start3A_89 = tpu.memref_squeeze %dma_start3A_88 : memref<1x128xi32, #tpu.memory_space<vmem>> -> memref<128xi32, #tpu.memory_space<vmem>>
      %dma_start3A_90 = arith.constant 0 : i32
      %dma_start3A_91 = tpu.memref_slice %arg6[%dma_start3A_90] : memref<2600000xf32, #tpu.memory_space<hbm>> -> memref<2600000xf32, #tpu.memory_space<hbm>>
      tpu.enqueue_indirect_dma source(%dma_start3A_91 : memref<2600000xf32, #tpu.memory_space<hbm>>) target(%dma_start3A_86 : memref<128xf32, #tpu.memory_space<vmem>>) offsets(%dma_start3A_89 : memref<128xi32, #tpu.memory_space<vmem>>) semaphore(%arg16 : memref<!tpu.dma_semaphore, #tpu.memory_space<semaphore_mem>>)
      %mul3A_92 = arith.constant 13 : i32
      %mul3A_93 = arith.muli %add3A_15, %mul3A_92 : i32
      %add3A_94 = arith.constant 7 : i32
      %add3A_95 = arith.addi %mul3A_93, %add3A_94 : i32
      %dma_start3A_96 = arith.constant 896 : i32
      %dma_start3A_97 = tpu.memref_slice %arg13[%dma_start3A_96] : memref<1664xf32, #tpu.memory_space<vmem>> -> memref<128xf32, #tpu.memory_space<vmem>>
      %dma_start3A_98 = arith.constant 0 : i32
      %dma_start3A_99 = tpu.memref_slice %arg11[%add3A_95, %dma_start3A_98] : memref<104x128xi32, #tpu.memory_space<vmem>> -> memref<1x128xi32, #tpu.memory_space<vmem>>
      %dma_start3A_100 = tpu.memref_squeeze %dma_start3A_99 : memref<1x128xi32, #tpu.memory_space<vmem>> -> memref<128xi32, #tpu.memory_space<vmem>>
      %dma_start3A_101 = arith.constant 0 : i32
      %dma_start3A_102 = tpu.memref_slice %arg6[%dma_start3A_101] : memref<2600000xf32, #tpu.memory_space<hbm>> -> memref<2600000xf32, #tpu.memory_space<hbm>>
      tpu.enqueue_indirect_dma source(%dma_start3A_102 : memref<2600000xf32, #tpu.memory_space<hbm>>) target(%dma_start3A_97 : memref<128xf32, #tpu.memory_space<vmem>>) offsets(%dma_start3A_100 : memref<128xi32, #tpu.memory_space<vmem>>) semaphore(%arg16 : memref<!tpu.dma_semaphore, #tpu.memory_space<semaphore_mem>>)
      %mul3A_103 = arith.constant 13 : i32
      %mul3A_104 = arith.muli %add3A_15, %mul3A_103 : i32
      %add3A_105 = arith.constant 8 : i32
      %add3A_106 = arith.addi %mul3A_104, %add3A_105 : i32
      %dma_start3A_107 = arith.constant 1024 : i32
      %dma_start3A_108 = tpu.memref_slice %arg13[%dma_start3A_107] : memref<1664xf32, #tpu.memory_space<vmem>> -> memref<128xf32, #tpu.memory_space<vmem>>
      %dma_start3A_109 = arith.constant 0 : i32
      %dma_start3A_110 = tpu.memref_slice %arg11[%add3A_106, %dma_start3A_109] : memref<104x128xi32, #tpu.memory_space<vmem>> -> memref<1x128xi32, #tpu.memory_space<vmem>>
      %dma_start3A_111 = tpu.memref_squeeze %dma_start3A_110 : memref<1x128xi32, #tpu.memory_space<vmem>> -> memref<128xi32, #tpu.memory_space<vmem>>
      %dma_start3A_112 = arith.constant 0 : i32
      %dma_start3A_113 = tpu.memref_slice %arg6[%dma_start3A_112] : memref<2600000xf32, #tpu.memory_space<hbm>> -> memref<2600000xf32, #tpu.memory_space<hbm>>
      tpu.enqueue_indirect_dma source(%dma_start3A_113 : memref<2600000xf32, #tpu.memory_space<hbm>>) target(%dma_start3A_108 : memref<128xf32, #tpu.memory_space<vmem>>) offsets(%dma_start3A_111 : memref<128xi32, #tpu.memory_space<vmem>>) semaphore(%arg16 : memref<!tpu.dma_semaphore, #tpu.memory_space<semaphore_mem>>)
      %mul3A_114 = arith.constant 13 : i32
      %mul3A_115 = arith.muli %add3A_15, %mul3A_114 : i32
      %add3A_116 = arith.constant 9 : i32
      %add3A_117 = arith.addi %mul3A_115, %add3A_116 : i32
      %dma_start3A_118 = arith.constant 1152 : i32
      %dma_start3A_119 = tpu.memref_slice %arg13[%dma_start3A_118] : memref<1664xf32, #tpu.memory_space<vmem>> -> memref<128xf32, #tpu.memory_space<vmem>>
      %dma_start3A_120 = arith.constant 0 : i32
      %dma_start3A_121 = tpu.memref_slice %arg11[%add3A_117, %dma_start3A_120] : memref<104x128xi32, #tpu.memory_space<vmem>> -> memref<1x128xi32, #tpu.memory_space<vmem>>
      %dma_start3A_122 = tpu.memref_squeeze %dma_start3A_121 : memref<1x128xi32, #tpu.memory_space<vmem>> -> memref<128xi32, #tpu.memory_space<vmem>>
      %dma_start3A_123 = arith.constant 0 : i32
      %dma_start3A_124 = tpu.memref_slice %arg6[%dma_start3A_123] : memref<2600000xf32, #tpu.memory_space<hbm>> -> memref<2600000xf32, #tpu.memory_space<hbm>>
      tpu.enqueue_indirect_dma source(%dma_start3A_124 : memref<2600000xf32, #tpu.memory_space<hbm>>) target(%dma_start3A_119 : memref<128xf32, #tpu.memory_space<vmem>>) offsets(%dma_start3A_122 : memref<128xi32, #tpu.memory_space<vmem>>) semaphore(%arg16 : memref<!tpu.dma_semaphore, #tpu.memory_space<semaphore_mem>>)
      %mul3A_125 = arith.constant 13 : i32
      %mul3A_126 = arith.muli %add3A_15, %mul3A_125 : i32
      %add3A_127 = arith.constant 10 : i32
      %add3A_128 = arith.addi %mul3A_126, %add3A_127 : i32
      %dma_start3A_129 = arith.constant 1280 : i32
      %dma_start3A_130 = tpu.memref_slice %arg13[%dma_start3A_129] : memref<1664xf32, #tpu.memory_space<vmem>> -> memref<128xf32, #tpu.memory_space<vmem>>
      %dma_start3A_131 = arith.constant 0 : i32
      %dma_start3A_132 = tpu.memref_slice %arg11[%add3A_128, %dma_start3A_131] : memref<104x128xi32, #tpu.memory_space<vmem>> -> memref<1x128xi32, #tpu.memory_space<vmem>>
      %dma_start3A_133 = tpu.memref_squeeze %dma_start3A_132 : memref<1x128xi32, #tpu.memory_space<vmem>> -> memref<128xi32, #tpu.memory_space<vmem>>
      %dma_start3A_134 = arith.constant 0 : i32
      %dma_start3A_135 = tpu.memref_slice %arg6[%dma_start3A_134] : memref<2600000xf32, #tpu.memory_space<hbm>> -> memref<2600000xf32, #tpu.memory_space<hbm>>
      tpu.enqueue_indirect_dma source(%dma_start3A_135 : memref<2600000xf32, #tpu.memory_space<hbm>>) target(%dma_start3A_130 : memref<128xf32, #tpu.memory_space<vmem>>) offsets(%dma_start3A_133 : memref<128xi32, #tpu.memory_space<vmem>>) semaphore(%arg16 : memref<!tpu.dma_semaphore, #tpu.memory_space<semaphore_mem>>)
      %mul3A_136 = arith.constant 13 : i32
      %mul3A_137 = arith.muli %add3A_15, %mul3A_136 : i32
      %add3A_138 = arith.constant 11 : i32
      %add3A_139 = arith.addi %mul3A_137, %add3A_138 : i32
      %dma_start3A_140 = arith.constant 1408 : i32
      %dma_start3A_141 = tpu.memref_slice %arg13[%dma_start3A_140] : memref<1664xf32, #tpu.memory_space<vmem>> -> memref<128xf32, #tpu.memory_space<vmem>>
      %dma_start3A_142 = arith.constant 0 : i32
      %dma_start3A_143 = tpu.memref_slice %arg11[%add3A_139, %dma_start3A_142] : memref<104x128xi32, #tpu.memory_space<vmem>> -> memref<1x128xi32, #tpu.memory_space<vmem>>
      %dma_start3A_144 = tpu.memref_squeeze %dma_start3A_143 : memref<1x128xi32, #tpu.memory_space<vmem>> -> memref<128xi32, #tpu.memory_space<vmem>>
      %dma_start3A_145 = arith.constant 0 : i32
      %dma_start3A_146 = tpu.memref_slice %arg6[%dma_start3A_145] : memref<2600000xf32, #tpu.memory_space<hbm>> -> memref<2600000xf32, #tpu.memory_space<hbm>>
      tpu.enqueue_indirect_dma source(%dma_start3A_146 : memref<2600000xf32, #tpu.memory_space<hbm>>) target(%dma_start3A_141 : memref<128xf32, #tpu.memory_space<vmem>>) offsets(%dma_start3A_144 : memref<128xi32, #tpu.memory_space<vmem>>) semaphore(%arg16 : memref<!tpu.dma_semaphore, #tpu.memory_space<semaphore_mem>>)
      %mul3A_147 = arith.constant 13 : i32
      %mul3A_148 = arith.muli %add3A_15, %mul3A_147 : i32
      %add3A_149 = arith.constant 12 : i32
      %add3A_150 = arith.addi %mul3A_148, %add3A_149 : i32
      %dma_start3A_151 = arith.constant 1536 : i32
      %dma_start3A_152 = tpu.memref_slice %arg13[%dma_start3A_151] : memref<1664xf32, #tpu.memory_space<vmem>> -> memref<128xf32, #tpu.memory_space<vmem>>
      %dma_start3A_153 = arith.constant 0 : i32
      %dma_start3A_154 = tpu.memref_slice %arg11[%add3A_150, %dma_start3A_153] : memref<104x128xi32, #tpu.memory_space<vmem>> -> memref<1x128xi32, #tpu.memory_space<vmem>>
      %dma_start3A_155 = tpu.memref_squeeze %dma_start3A_154 : memref<1x128xi32, #tpu.memory_space<vmem>> -> memref<128xi32, #tpu.memory_space<vmem>>
      %dma_start3A_156 = arith.constant 0 : i32
      %dma_start3A_157 = tpu.memref_slice %arg6[%dma_start3A_156] : memref<2600000xf32, #tpu.memory_space<hbm>> -> memref<2600000xf32, #tpu.memory_space<hbm>>
      tpu.enqueue_indirect_dma source(%dma_start3A_157 : memref<2600000xf32, #tpu.memory_space<hbm>>) target(%dma_start3A_152 : memref<128xf32, #tpu.memory_space<vmem>>) offsets(%dma_start3A_155 : memref<128xi32, #tpu.memory_space<vmem>>) semaphore(%arg16 : memref<!tpu.dma_semaphore, #tpu.memory_space<semaphore_mem>>)
      %mul3A_158 = arith.constant 13 : i32
      %mul3A_159 = arith.muli %add3A_15, %mul3A_158 : i32
      %add3A_160 = arith.constant 0 : i32
      %add3A_161 = arith.addi %mul3A_159, %add3A_160 : i32
      %dma_start3A_162 = arith.constant 0 : i32
      %dma_start3A_163 = arith.constant 0 : i32
      %dma_start3A_164 = tpu.memref_slice %arg12[%dma_start3A_162, %dma_start3A_163] : memref<1664x16xf32, #tpu.memory_space<vmem>> -> memref<128x16xf32, #tpu.memory_space<vmem>>
      %dma_start3A_165 = arith.constant 0 : i32
      %dma_start3A_166 = tpu.memref_slice %arg9[%add3A_161, %dma_start3A_165] : memref<104x128xi32, #tpu.memory_space<vmem>> -> memref<1x128xi32, #tpu.memory_space<vmem>>
      %dma_start3A_167 = tpu.memref_squeeze %dma_start3A_166 : memref<1x128xi32, #tpu.memory_space<vmem>> -> memref<128xi32, #tpu.memory_space<vmem>>
      %dma_start3A_168 = arith.constant 0 : i32
      %dma_start3A_169 = arith.constant 0 : i32
      %dma_start3A_170 = tpu.memref_slice %arg5[%dma_start3A_168, %dma_start3A_169] : memref<2600000x16xf32, #tpu.memory_space<hbm>> -> memref<2600000x16xf32, #tpu.memory_space<hbm>>
      tpu.enqueue_indirect_dma source(%dma_start3A_170 : memref<2600000x16xf32, #tpu.memory_space<hbm>>) target(%dma_start3A_164 : memref<128x16xf32, #tpu.memory_space<vmem>>) offsets(%dma_start3A_167 : memref<128xi32, #tpu.memory_space<vmem>>) semaphore(%arg14 : memref<!tpu.dma_semaphore, #tpu.memory_space<semaphore_mem>>)
      %mul3A_171 = arith.constant 13 : i32
      %mul3A_172 = arith.muli %add3A_15, %mul3A_171 : i32
      %add3A_173 = arith.constant 1 : i32
      %add3A_174 = arith.addi %mul3A_172, %add3A_173 : i32
      %dma_start3A_175 = arith.constant 128 : i32
      %dma_start3A_176 = arith.constant 0 : i32
      %dma_start3A_177 = tpu.memref_slice %arg12[%dma_start3A_175, %dma_start3A_176] : memref<1664x16xf32, #tpu.memory_space<vmem>> -> memref<128x16xf32, #tpu.memory_space<vmem>>
      %dma_start3A_178 = arith.constant 0 : i32
      %dma_start3A_179 = tpu.memref_slice %arg9[%add3A_174, %dma_start3A_178] : memref<104x128xi32, #tpu.memory_space<vmem>> -> memref<1x128xi32, #tpu.memory_space<vmem>>
      %dma_start3A_180 = tpu.memref_squeeze %dma_start3A_179 : memref<1x128xi32, #tpu.memory_space<vmem>> -> memref<128xi32, #tpu.memory_space<vmem>>
      %dma_start3A_181 = arith.constant 0 : i32
      %dma_start3A_182 = arith.constant 0 : i32
      %dma_start3A_183 = tpu.memref_slice %arg5[%dma_start3A_181, %dma_start3A_182] : memref<2600000x16xf32, #tpu.memory_space<hbm>> -> memref<2600000x16xf32, #tpu.memory_space<hbm>>
      tpu.enqueue_indirect_dma source(%dma_start3A_183 : memref<2600000x16xf32, #tpu.memory_space<hbm>>) target(%dma_start3A_177 : memref<128x16xf32, #tpu.memory_space<vmem>>) offsets(%dma_start3A_180 : memref<128xi32, #tpu.memory_space<vmem>>) semaphore(%arg14 : memref<!tpu.dma_semaphore, #tpu.memory_space<semaphore_mem>>)
      %mul3A_184 = arith.constant 13 : i32
      %mul3A_185 = arith.muli %add3A_15, %mul3A_184 : i32
      %add3A_186 = arith.constant 2 : i32
      %add3A_187 = arith.addi %mul3A_185, %add3A_186 : i32
      %dma_start3A_188 = arith.constant 256 : i32
      %dma_start3A_189 = arith.constant 0 : i32
      %dma_start3A_190 = tpu.memref_slice %arg12[%dma_start3A_188, %dma_start3A_189] : memref<1664x16xf32, #tpu.memory_space<vmem>> -> memref<128x16xf32, #tpu.memory_space<vmem>>
      %dma_start3A_191 = arith.constant 0 : i32
      %dma_start3A_192 = tpu.memref_slice %arg9[%add3A_187, %dma_start3A_191] : memref<104x128xi32, #tpu.memory_space<vmem>> -> memref<1x128xi32, #tpu.memory_space<vmem>>
      %dma_start3A_193 = tpu.memref_squeeze %dma_start3A_192 : memref<1x128xi32, #tpu.memory_space<vmem>> -> memref<128xi32, #tpu.memory_space<vmem>>
      %dma_start3A_194 = arith.constant 0 : i32
      %dma_start3A_195 = arith.constant 0 : i32
      %dma_start3A_196 = tpu.memref_slice %arg5[%dma_start3A_194, %dma_start3A_195] : memref<2600000x16xf32, #tpu.memory_space<hbm>> -> memref<2600000x16xf32, #tpu.memory_space<hbm>>
      tpu.enqueue_indirect_dma source(%dma_start3A_196 : memref<2600000x16xf32, #tpu.memory_space<hbm>>) target(%dma_start3A_190 : memref<128x16xf32, #tpu.memory_space<vmem>>) offsets(%dma_start3A_193 : memref<128xi32, #tpu.memory_space<vmem>>) semaphore(%arg14 : memref<!tpu.dma_semaphore, #tpu.memory_space<semaphore_mem>>)
      %mul3A_197 = arith.constant 13 : i32
      %mul3A_198 = arith.muli %add3A_15, %mul3A_197 : i32
      %add3A_199 = arith.constant 3 : i32
      %add3A_200 = arith.addi %mul3A_198, %add3A_199 : i32
      %dma_start3A_201 = arith.constant 384 : i32
      %dma_start3A_202 = arith.constant 0 : i32
      %dma_start3A_203 = tpu.memref_slice %arg12[%dma_start3A_201, %dma_start3A_202] : memref<1664x16xf32, #tpu.memory_space<vmem>> -> memref<128x16xf32, #tpu.memory_space<vmem>>
      %dma_start3A_204 = arith.constant 0 : i32
      %dma_start3A_205 = tpu.memref_slice %arg9[%add3A_200, %dma_start3A_204] : memref<104x128xi32, #tpu.memory_space<vmem>> -> memref<1x128xi32, #tpu.memory_space<vmem>>
      %dma_start3A_206 = tpu.memref_squeeze %dma_start3A_205 : memref<1x128xi32, #tpu.memory_space<vmem>> -> memref<128xi32, #tpu.memory_space<vmem>>
      %dma_start3A_207 = arith.constant 0 : i32
      %dma_start3A_208 = arith.constant 0 : i32
      %dma_start3A_209 = tpu.memref_slice %arg5[%dma_start3A_207, %dma_start3A_208] : memref<2600000x16xf32, #tpu.memory_space<hbm>> -> memref<2600000x16xf32, #tpu.memory_space<hbm>>
      tpu.enqueue_indirect_dma source(%dma_start3A_209 : memref<2600000x16xf32, #tpu.memory_space<hbm>>) target(%dma_start3A_203 : memref<128x16xf32, #tpu.memory_space<vmem>>) offsets(%dma_start3A_206 : memref<128xi32, #tpu.memory_space<vmem>>) semaphore(%arg14 : memref<!tpu.dma_semaphore, #tpu.memory_space<semaphore_mem>>)
      %mul3A_210 = arith.constant 13 : i32
      %mul3A_211 = arith.muli %add3A_15, %mul3A_210 : i32
      %add3A_212 = arith.constant 4 : i32
      %add3A_213 = arith.addi %mul3A_211, %add3A_212 : i32
      %dma_start3A_214 = arith.constant 512 : i32
      %dma_start3A_215 = arith.constant 0 : i32
      %dma_start3A_216 = tpu.memref_slice %arg12[%dma_start3A_214, %dma_start3A_215] : memref<1664x16xf32, #tpu.memory_space<vmem>> -> memref<128x16xf32, #tpu.memory_space<vmem>>
      %dma_start3A_217 = arith.constant 0 : i32
      %dma_start3A_218 = tpu.memref_slice %arg9[%add3A_213, %dma_start3A_217] : memref<104x128xi32, #tpu.memory_space<vmem>> -> memref<1x128xi32, #tpu.memory_space<vmem>>
      %dma_start3A_219 = tpu.memref_squeeze %dma_start3A_218 : memref<1x128xi32, #tpu.memory_space<vmem>> -> memref<128xi32, #tpu.memory_space<vmem>>
      %dma_start3A_220 = arith.constant 0 : i32
      %dma_start3A_221 = arith.constant 0 : i32
      %dma_start3A_222 = tpu.memref_slice %arg5[%dma_start3A_220, %dma_start3A_221] : memref<2600000x16xf32, #tpu.memory_space<hbm>> -> memref<2600000x16xf32, #tpu.memory_space<hbm>>
      tpu.enqueue_indirect_dma source(%dma_start3A_222 : memref<2600000x16xf32, #tpu.memory_space<hbm>>) target(%dma_start3A_216 : memref<128x16xf32, #tpu.memory_space<vmem>>) offsets(%dma_start3A_219 : memref<128xi32, #tpu.memory_space<vmem>>) semaphore(%arg14 : memref<!tpu.dma_semaphore, #tpu.memory_space<semaphore_mem>>)
      %mul3A_223 = arith.constant 13 : i32
      %mul3A_224 = arith.muli %add3A_15, %mul3A_223 : i32
      %add3A_225 = arith.constant 5 : i32
      %add3A_226 = arith.addi %mul3A_224, %add3A_225 : i32
      %dma_start3A_227 = arith.constant 640 : i32
      %dma_start3A_228 = arith.constant 0 : i32
      %dma_start3A_229 = tpu.memref_slice %arg12[%dma_start3A_227, %dma_start3A_228] : memref<1664x16xf32, #tpu.memory_space<vmem>> -> memref<128x16xf32, #tpu.memory_space<vmem>>
      %dma_start3A_230 = arith.constant 0 : i32
      %dma_start3A_231 = tpu.memref_slice %arg9[%add3A_226, %dma_start3A_230] : memref<104x128xi32, #tpu.memory_space<vmem>> -> memref<1x128xi32, #tpu.memory_space<vmem>>
      %dma_start3A_232 = tpu.memref_squeeze %dma_start3A_231 : memref<1x128xi32, #tpu.memory_space<vmem>> -> memref<128xi32, #tpu.memory_space<vmem>>
      %dma_start3A_233 = arith.constant 0 : i32
      %dma_start3A_234 = arith.constant 0 : i32
      %dma_start3A_235 = tpu.memref_slice %arg5[%dma_start3A_233, %dma_start3A_234] : memref<2600000x16xf32, #tpu.memory_space<hbm>> -> memref<2600000x16xf32, #tpu.memory_space<hbm>>
      tpu.enqueue_indirect_dma source(%dma_start3A_235 : memref<2600000x16xf32, #tpu.memory_space<hbm>>) target(%dma_start3A_229 : memref<128x16xf32, #tpu.memory_space<vmem>>) offsets(%dma_start3A_232 : memref<128xi32, #tpu.memory_space<vmem>>) semaphore(%arg14 : memref<!tpu.dma_semaphore, #tpu.memory_space<semaphore_mem>>)
      %mul3A_236 = arith.constant 13 : i32
      %mul3A_237 = arith.muli %add3A_15, %mul3A_236 : i32
      %add3A_238 = arith.constant 6 : i32
      %add3A_239 = arith.addi %mul3A_237, %add3A_238 : i32
      %dma_start3A_240 = arith.constant 768 : i32
      %dma_start3A_241 = arith.constant 0 : i32
      %dma_start3A_242 = tpu.memref_slice %arg12[%dma_start3A_240, %dma_start3A_241] : memref<1664x16xf32, #tpu.memory_space<vmem>> -> memref<128x16xf32, #tpu.memory_space<vmem>>
      %dma_start3A_243 = arith.constant 0 : i32
      %dma_start3A_244 = tpu.memref_slice %arg9[%add3A_239, %dma_start3A_243] : memref<104x128xi32, #tpu.memory_space<vmem>> -> memref<1x128xi32, #tpu.memory_space<vmem>>
      %dma_start3A_245 = tpu.memref_squeeze %dma_start3A_244 : memref<1x128xi32, #tpu.memory_space<vmem>> -> memref<128xi32, #tpu.memory_space<vmem>>
      %dma_start3A_246 = arith.constant 0 : i32
      %dma_start3A_247 = arith.constant 0 : i32
      %dma_start3A_248 = tpu.memref_slice %arg5[%dma_start3A_246, %dma_start3A_247] : memref<2600000x16xf32, #tpu.memory_space<hbm>> -> memref<2600000x16xf32, #tpu.memory_space<hbm>>
      tpu.enqueue_indirect_dma source(%dma_start3A_248 : memref<2600000x16xf32, #tpu.memory_space<hbm>>) target(%dma_start3A_242 : memref<128x16xf32, #tpu.memory_space<vmem>>) offsets(%dma_start3A_245 : memref<128xi32, #tpu.memory_space<vmem>>) semaphore(%arg14 : memref<!tpu.dma_semaphore, #tpu.memory_space<semaphore_mem>>)
      %mul3A_249 = arith.constant 13 : i32
      %mul3A_250 = arith.muli %add3A_15, %mul3A_249 : i32
      %add3A_251 = arith.constant 7 : i32
      %add3A_252 = arith.addi %mul3A_250, %add3A_251 : i32
      %dma_start3A_253 = arith.constant 896 : i32
      %dma_start3A_254 = arith.constant 0 : i32
      %dma_start3A_255 = tpu.memref_slice %arg12[%dma_start3A_253, %dma_start3A_254] : memref<1664x16xf32, #tpu.memory_space<vmem>> -> memref<128x16xf32, #tpu.memory_space<vmem>>
      %dma_start3A_256 = arith.constant 0 : i32
      %dma_start3A_257 = tpu.memref_slice %arg9[%add3A_252, %dma_start3A_256] : memref<104x128xi32, #tpu.memory_space<vmem>> -> memref<1x128xi32, #tpu.memory_space<vmem>>
      %dma_start3A_258 = tpu.memref_squeeze %dma_start3A_257 : memref<1x128xi32, #tpu.memory_space<vmem>> -> memref<128xi32, #tpu.memory_space<vmem>>
      %dma_start3A_259 = arith.constant 0 : i32
      %dma_start3A_260 = arith.constant 0 : i32
      %dma_start3A_261 = tpu.memref_slice %arg5[%dma_start3A_259, %dma_start3A_260] : memref<2600000x16xf32, #tpu.memory_space<hbm>> -> memref<2600000x16xf32, #tpu.memory_space<hbm>>
      tpu.enqueue_indirect_dma source(%dma_start3A_261 : memref<2600000x16xf32, #tpu.memory_space<hbm>>) target(%dma_start3A_255 : memref<128x16xf32, #tpu.memory_space<vmem>>) offsets(%dma_start3A_258 : memref<128xi32, #tpu.memory_space<vmem>>) semaphore(%arg14 : memref<!tpu.dma_semaphore, #tpu.memory_space<semaphore_mem>>)
      %mul3A_262 = arith.constant 13 : i32
      %mul3A_263 = arith.muli %add3A_15, %mul3A_262 : i32
      %add3A_264 = arith.constant 8 : i32
      %add3A_265 = arith.addi %mul3A_263, %add3A_264 : i32
      %dma_start3A_266 = arith.constant 1024 : i32
      %dma_start3A_267 = arith.constant 0 : i32
      %dma_start3A_268 = tpu.memref_slice %arg12[%dma_start3A_266, %dma_start3A_267] : memref<1664x16xf32, #tpu.memory_space<vmem>> -> memref<128x16xf32, #tpu.memory_space<vmem>>
      %dma_start3A_269 = arith.constant 0 : i32
      %dma_start3A_270 = tpu.memref_slice %arg9[%add3A_265, %dma_start3A_269] : memref<104x128xi32, #tpu.memory_space<vmem>> -> memref<1x128xi32, #tpu.memory_space<vmem>>
      %dma_start3A_271 = tpu.memref_squeeze %dma_start3A_270 : memref<1x128xi32, #tpu.memory_space<vmem>> -> memref<128xi32, #tpu.memory_space<vmem>>
      %dma_start3A_272 = arith.constant 0 : i32
      %dma_start3A_273 = arith.constant 0 : i32
      %dma_start3A_274 = tpu.memref_slice %arg5[%dma_start3A_272, %dma_start3A_273] : memref<2600000x16xf32, #tpu.memory_space<hbm>> -> memref<2600000x16xf32, #tpu.memory_space<hbm>>
      tpu.enqueue_indirect_dma source(%dma_start3A_274 : memref<2600000x16xf32, #tpu.memory_space<hbm>>) target(%dma_start3A_268 : memref<128x16xf32, #tpu.memory_space<vmem>>) offsets(%dma_start3A_271 : memref<128xi32, #tpu.memory_space<vmem>>) semaphore(%arg14 : memref<!tpu.dma_semaphore, #tpu.memory_space<semaphore_mem>>)
      %mul3A_275 = arith.constant 13 : i32
      %mul3A_276 = arith.muli %add3A_15, %mul3A_275 : i32
      %add3A_277 = arith.constant 9 : i32
      %add3A_278 = arith.addi %mul3A_276, %add3A_277 : i32
      %dma_start3A_279 = arith.constant 1152 : i32
      %dma_start3A_280 = arith.constant 0 : i32
      %dma_start3A_281 = tpu.memref_slice %arg12[%dma_start3A_279, %dma_start3A_280] : memref<1664x16xf32, #tpu.memory_space<vmem>> -> memref<128x16xf32, #tpu.memory_space<vmem>>
      %dma_start3A_282 = arith.constant 0 : i32
      %dma_start3A_283 = tpu.memref_slice %arg9[%add3A_278, %dma_start3A_282] : memref<104x128xi32, #tpu.memory_space<vmem>> -> memref<1x128xi32, #tpu.memory_space<vmem>>
      %dma_start3A_284 = tpu.memref_squeeze %dma_start3A_283 : memref<1x128xi32, #tpu.memory_space<vmem>> -> memref<128xi32, #tpu.memory_space<vmem>>
      %dma_start3A_285 = arith.constant 0 : i32
      %dma_start3A_286 = arith.constant 0 : i32
      %dma_start3A_287 = tpu.memref_slice %arg5[%dma_start3A_285, %dma_start3A_286] : memref<2600000x16xf32, #tpu.memory_space<hbm>> -> memref<2600000x16xf32, #tpu.memory_space<hbm>>
      tpu.enqueue_indirect_dma source(%dma_start3A_287 : memref<2600000x16xf32, #tpu.memory_space<hbm>>) target(%dma_start3A_281 : memref<128x16xf32, #tpu.memory_space<vmem>>) offsets(%dma_start3A_284 : memref<128xi32, #tpu.memory_space<vmem>>) semaphore(%arg14 : memref<!tpu.dma_semaphore, #tpu.memory_space<semaphore_mem>>)
      %mul3A_288 = arith.constant 13 : i32
      %mul3A_289 = arith.muli %add3A_15, %mul3A_288 : i32
      %add3A_290 = arith.constant 10 : i32
      %add3A_291 = arith.addi %mul3A_289, %add3A_290 : i32
      %dma_start3A_292 = arith.constant 1280 : i32
      %dma_start3A_293 = arith.constant 0 : i32
      %dma_start3A_294 = tpu.memref_slice %arg12[%dma_start3A_292, %dma_start3A_293] : memref<1664x16xf32, #tpu.memory_space<vmem>> -> memref<128x16xf32, #tpu.memory_space<vmem>>
      %dma_start3A_295 = arith.constant 0 : i32
      %dma_start3A_296 = tpu.memref_slice %arg9[%add3A_291, %dma_start3A_295] : memref<104x128xi32, #tpu.memory_space<vmem>> -> memref<1x128xi32, #tpu.memory_space<vmem>>
      %dma_start3A_297 = tpu.memref_squeeze %dma_start3A_296 : memref<1x128xi32, #tpu.memory_space<vmem>> -> memref<128xi32, #tpu.memory_space<vmem>>
      %dma_start3A_298 = arith.constant 0 : i32
      %dma_start3A_299 = arith.constant 0 : i32
      %dma_start3A_300 = tpu.memref_slice %arg5[%dma_start3A_298, %dma_start3A_299] : memref<2600000x16xf32, #tpu.memory_space<hbm>> -> memref<2600000x16xf32, #tpu.memory_space<hbm>>
      tpu.enqueue_indirect_dma source(%dma_start3A_300 : memref<2600000x16xf32, #tpu.memory_space<hbm>>) target(%dma_start3A_294 : memref<128x16xf32, #tpu.memory_space<vmem>>) offsets(%dma_start3A_297 : memref<128xi32, #tpu.memory_space<vmem>>) semaphore(%arg14 : memref<!tpu.dma_semaphore, #tpu.memory_space<semaphore_mem>>)
      %mul3A_301 = arith.constant 13 : i32
      %mul3A_302 = arith.muli %add3A_15, %mul3A_301 : i32
      %add3A_303 = arith.constant 11 : i32
      %add3A_304 = arith.addi %mul3A_302, %add3A_303 : i32
      %dma_start3A_305 = arith.constant 1408 : i32
      %dma_start3A_306 = arith.constant 0 : i32
      %dma_start3A_307 = tpu.memref_slice %arg12[%dma_start3A_305, %dma_start3A_306] : memref<1664x16xf32, #tpu.memory_space<vmem>> -> memref<128x16xf32, #tpu.memory_space<vmem>>
      %dma_start3A_308 = arith.constant 0 : i32
      %dma_start3A_309 = tpu.memref_slice %arg9[%add3A_304, %dma_start3A_308] : memref<104x128xi32, #tpu.memory_space<vmem>> -> memref<1x128xi32, #tpu.memory_space<vmem>>
      %dma_start3A_310 = tpu.memref_squeeze %dma_start3A_309 : memref<1x128xi32, #tpu.memory_space<vmem>> -> memref<128xi32, #tpu.memory_space<vmem>>
      %dma_start3A_311 = arith.constant 0 : i32
      %dma_start3A_312 = arith.constant 0 : i32
      %dma_start3A_313 = tpu.memref_slice %arg5[%dma_start3A_311, %dma_start3A_312] : memref<2600000x16xf32, #tpu.memory_space<hbm>> -> memref<2600000x16xf32, #tpu.memory_space<hbm>>
      tpu.enqueue_indirect_dma source(%dma_start3A_313 : memref<2600000x16xf32, #tpu.memory_space<hbm>>) target(%dma_start3A_307 : memref<128x16xf32, #tpu.memory_space<vmem>>) offsets(%dma_start3A_310 : memref<128xi32, #tpu.memory_space<vmem>>) semaphore(%arg14 : memref<!tpu.dma_semaphore, #tpu.memory_space<semaphore_mem>>)
      %mul3A_314 = arith.constant 13 : i32
      %mul3A_315 = arith.muli %add3A_15, %mul3A_314 : i32
      %add3A_316 = arith.constant 12 : i32
      %add3A_317 = arith.addi %mul3A_315, %add3A_316 : i32
      %dma_start3A_318 = arith.constant 1536 : i32
      %dma_start3A_319 = arith.constant 0 : i32
      %dma_start3A_320 = tpu.memref_slice %arg12[%dma_start3A_318, %dma_start3A_319] : memref<1664x16xf32, #tpu.memory_space<vmem>> -> memref<128x16xf32, #tpu.memory_space<vmem>>
      %dma_start3A_321 = arith.constant 0 : i32
      %dma_start3A_322 = tpu.memref_slice %arg9[%add3A_317, %dma_start3A_321] : memref<104x128xi32, #tpu.memory_space<vmem>> -> memref<1x128xi32, #tpu.memory_space<vmem>>
      %dma_start3A_323 = tpu.memref_squeeze %dma_start3A_322 : memref<1x128xi32, #tpu.memory_space<vmem>> -> memref<128xi32, #tpu.memory_space<vmem>>
      %dma_start3A_324 = arith.constant 0 : i32
      %dma_start3A_325 = arith.constant 0 : i32
      %dma_start3A_326 = tpu.memref_slice %arg5[%dma_start3A_324, %dma_start3A_325] : memref<2600000x16xf32, #tpu.memory_space<hbm>> -> memref<2600000x16xf32, #tpu.memory_space<hbm>>
      tpu.enqueue_indirect_dma source(%dma_start3A_326 : memref<2600000x16xf32, #tpu.memory_space<hbm>>) target(%dma_start3A_320 : memref<128x16xf32, #tpu.memory_space<vmem>>) offsets(%dma_start3A_323 : memref<128xi32, #tpu.memory_space<vmem>>) semaphore(%arg14 : memref<!tpu.dma_semaphore, #tpu.memory_space<semaphore_mem>>)
      %dma_wait3A = arith.constant 0 : i32
      %dma_wait3A_327 = arith.constant 0 : i32
      %dma_wait3A_328 = tpu.memref_slice %arg12[%dma_wait3A, %dma_wait3A_327] : memref<1664x16xf32, #tpu.memory_space<vmem>> -> memref<128x16xf32, #tpu.memory_space<vmem>>
      %dma_wait3A_329 = arith.constant 0 : i32
      %dma_wait3A_330 = tpu.memref_slice %arg9[%add3A_161, %dma_wait3A_329] : memref<104x128xi32, #tpu.memory_space<vmem>> -> memref<1x128xi32, #tpu.memory_space<vmem>>
      %dma_wait3A_331 = tpu.memref_squeeze %dma_wait3A_330 : memref<1x128xi32, #tpu.memory_space<vmem>> -> memref<128xi32, #tpu.memory_space<vmem>>
      %dma_wait3A_332 = arith.constant 0 : i32
      %dma_wait3A_333 = arith.constant 0 : i32
      %dma_wait3A_334 = tpu.memref_slice %arg5[%dma_wait3A_332, %dma_wait3A_333] : memref<2600000x16xf32, #tpu.memory_space<hbm>> -> memref<2600000x16xf32, #tpu.memory_space<hbm>>
      tpu.wait_indirect_dma semaphore(%arg14 : memref<!tpu.dma_semaphore, #tpu.memory_space<semaphore_mem>>) src(%dma_wait3A_334 : memref<2600000x16xf32, #tpu.memory_space<hbm>>) dst(%dma_wait3A_328 : memref<128x16xf32, #tpu.memory_space<vmem>>)
      %mul3A_335 = arith.constant 13 : i32
      %mul3A_336 = arith.muli %add3A_15, %mul3A_335 : i32
      %add3A_337 = arith.constant 0 : i32
      %add3A_338 = arith.addi %mul3A_336, %add3A_337 : i32
      %dma_start3A_339 = arith.constant 0 : i32
      %dma_start3A_340 = arith.constant 0 : i32
      %dma_start3A_341 = tpu.memref_slice %arg12[%dma_start3A_339, %dma_start3A_340] : memref<1664x16xf32, #tpu.memory_space<vmem>> -> memref<128x16xf32, #tpu.memory_space<vmem>>
      %dma_start3A_342 = arith.constant 0 : i32
      %dma_start3A_343 = tpu.memref_slice %arg10[%add3A_338, %dma_start3A_342] : memref<104x128xi32, #tpu.memory_space<vmem>> -> memref<1x128xi32, #tpu.memory_space<vmem>>
      %dma_start3A_344 = tpu.memref_squeeze %dma_start3A_343 : memref<1x128xi32, #tpu.memory_space<vmem>> -> memref<128xi32, #tpu.memory_space<vmem>>
      %dma_start3A_345 = arith.constant 0 : i32
      %dma_start3A_346 = arith.constant 0 : i32
      %dma_start3A_347 = tpu.memref_slice %arg7[%dma_start3A_345, %dma_start3A_346] : memref<524288x16xf32, #tpu.memory_space<hbm>> -> memref<524288x16xf32, #tpu.memory_space<hbm>>
      tpu.enqueue_indirect_dma source(%dma_start3A_341 : memref<128x16xf32, #tpu.memory_space<vmem>>) target(%dma_start3A_347 : memref<524288x16xf32, #tpu.memory_space<hbm>>) offsets(%dma_start3A_344 : memref<128xi32, #tpu.memory_space<vmem>>) semaphore(%arg15 : memref<!tpu.dma_semaphore, #tpu.memory_space<semaphore_mem>>)
      %dma_wait3A_348 = arith.constant 128 : i32
      %dma_wait3A_349 = arith.constant 0 : i32
      %dma_wait3A_350 = tpu.memref_slice %arg12[%dma_wait3A_348, %dma_wait3A_349] : memref<1664x16xf32, #tpu.memory_space<vmem>> -> memref<128x16xf32, #tpu.memory_space<vmem>>
      %dma_wait3A_351 = arith.constant 0 : i32
      %dma_wait3A_352 = tpu.memref_slice %arg9[%add3A_174, %dma_wait3A_351] : memref<104x128xi32, #tpu.memory_space<vmem>> -> memref<1x128xi32, #tpu.memory_space<vmem>>
      %dma_wait3A_353 = tpu.memref_squeeze %dma_wait3A_352 : memref<1x128xi32, #tpu.memory_space<vmem>> -> memref<128xi32, #tpu.memory_space<vmem>>
      %dma_wait3A_354 = arith.constant 0 : i32
      %dma_wait3A_355 = arith.constant 0 : i32
      %dma_wait3A_356 = tpu.memref_slice %arg5[%dma_wait3A_354, %dma_wait3A_355] : memref<2600000x16xf32, #tpu.memory_space<hbm>> -> memref<2600000x16xf32, #tpu.memory_space<hbm>>
      tpu.wait_indirect_dma semaphore(%arg14 : memref<!tpu.dma_semaphore, #tpu.memory_space<semaphore_mem>>) src(%dma_wait3A_356 : memref<2600000x16xf32, #tpu.memory_space<hbm>>) dst(%dma_wait3A_350 : memref<128x16xf32, #tpu.memory_space<vmem>>)
      %mul3A_357 = arith.constant 13 : i32
      %mul3A_358 = arith.muli %add3A_15, %mul3A_357 : i32
      %add3A_359 = arith.constant 1 : i32
      %add3A_360 = arith.addi %mul3A_358, %add3A_359 : i32
      %dma_start3A_361 = arith.constant 128 : i32
      %dma_start3A_362 = arith.constant 0 : i32
      %dma_start3A_363 = tpu.memref_slice %arg12[%dma_start3A_361, %dma_start3A_362] : memref<1664x16xf32, #tpu.memory_space<vmem>> -> memref<128x16xf32, #tpu.memory_space<vmem>>
      %dma_start3A_364 = arith.constant 0 : i32
      %dma_start3A_365 = tpu.memref_slice %arg10[%add3A_360, %dma_start3A_364] : memref<104x128xi32, #tpu.memory_space<vmem>> -> memref<1x128xi32, #tpu.memory_space<vmem>>
      %dma_start3A_366 = tpu.memref_squeeze %dma_start3A_365 : memref<1x128xi32, #tpu.memory_space<vmem>> -> memref<128xi32, #tpu.memory_space<vmem>>
      %dma_start3A_367 = arith.constant 0 : i32
      %dma_start3A_368 = arith.constant 0 : i32
      %dma_start3A_369 = tpu.memref_slice %arg7[%dma_start3A_367, %dma_start3A_368] : memref<524288x16xf32, #tpu.memory_space<hbm>> -> memref<524288x16xf32, #tpu.memory_space<hbm>>
      tpu.enqueue_indirect_dma source(%dma_start3A_363 : memref<128x16xf32, #tpu.memory_space<vmem>>) target(%dma_start3A_369 : memref<524288x16xf32, #tpu.memory_space<hbm>>) offsets(%dma_start3A_366 : memref<128xi32, #tpu.memory_space<vmem>>) semaphore(%arg15 : memref<!tpu.dma_semaphore, #tpu.memory_space<semaphore_mem>>)
      %dma_wait3A_370 = arith.constant 256 : i32
      %dma_wait3A_371 = arith.constant 0 : i32
      %dma_wait3A_372 = tpu.memref_slice %arg12[%dma_wait3A_370, %dma_wait3A_371] : memref<1664x16xf32, #tpu.memory_space<vmem>> -> memref<128x16xf32, #tpu.memory_space<vmem>>
      %dma_wait3A_373 = arith.constant 0 : i32
      %dma_wait3A_374 = tpu.memref_slice %arg9[%add3A_187, %dma_wait3A_373] : memref<104x128xi32, #tpu.memory_space<vmem>> -> memref<1x128xi32, #tpu.memory_space<vmem>>
      %dma_wait3A_375 = tpu.memref_squeeze %dma_wait3A_374 : memref<1x128xi32, #tpu.memory_space<vmem>> -> memref<128xi32, #tpu.memory_space<vmem>>
      %dma_wait3A_376 = arith.constant 0 : i32
      %dma_wait3A_377 = arith.constant 0 : i32
      %dma_wait3A_378 = tpu.memref_slice %arg5[%dma_wait3A_376, %dma_wait3A_377] : memref<2600000x16xf32, #tpu.memory_space<hbm>> -> memref<2600000x16xf32, #tpu.memory_space<hbm>>
      tpu.wait_indirect_dma semaphore(%arg14 : memref<!tpu.dma_semaphore, #tpu.memory_space<semaphore_mem>>) src(%dma_wait3A_378 : memref<2600000x16xf32, #tpu.memory_space<hbm>>) dst(%dma_wait3A_372 : memref<128x16xf32, #tpu.memory_space<vmem>>)
      %mul3A_379 = arith.constant 13 : i32
      %mul3A_380 = arith.muli %add3A_15, %mul3A_379 : i32
      %add3A_381 = arith.constant 2 : i32
      %add3A_382 = arith.addi %mul3A_380, %add3A_381 : i32
      %dma_start3A_383 = arith.constant 256 : i32
      %dma_start3A_384 = arith.constant 0 : i32
      %dma_start3A_385 = tpu.memref_slice %arg12[%dma_start3A_383, %dma_start3A_384] : memref<1664x16xf32, #tpu.memory_space<vmem>> -> memref<128x16xf32, #tpu.memory_space<vmem>>
      %dma_start3A_386 = arith.constant 0 : i32
      %dma_start3A_387 = tpu.memref_slice %arg10[%add3A_382, %dma_start3A_386] : memref<104x128xi32, #tpu.memory_space<vmem>> -> memref<1x128xi32, #tpu.memory_space<vmem>>
      %dma_start3A_388 = tpu.memref_squeeze %dma_start3A_387 : memref<1x128xi32, #tpu.memory_space<vmem>> -> memref<128xi32, #tpu.memory_space<vmem>>
      %dma_start3A_389 = arith.constant 0 : i32
      %dma_start3A_390 = arith.constant 0 : i32
      %dma_start3A_391 = tpu.memref_slice %arg7[%dma_start3A_389, %dma_start3A_390] : memref<524288x16xf32, #tpu.memory_space<hbm>> -> memref<524288x16xf32, #tpu.memory_space<hbm>>
      tpu.enqueue_indirect_dma source(%dma_start3A_385 : memref<128x16xf32, #tpu.memory_space<vmem>>) target(%dma_start3A_391 : memref<524288x16xf32, #tpu.memory_space<hbm>>) offsets(%dma_start3A_388 : memref<128xi32, #tpu.memory_space<vmem>>) semaphore(%arg15 : memref<!tpu.dma_semaphore, #tpu.memory_space<semaphore_mem>>)
      %dma_wait3A_392 = arith.constant 384 : i32
      %dma_wait3A_393 = arith.constant 0 : i32
      %dma_wait3A_394 = tpu.memref_slice %arg12[%dma_wait3A_392, %dma_wait3A_393] : memref<1664x16xf32, #tpu.memory_space<vmem>> -> memref<128x16xf32, #tpu.memory_space<vmem>>
      %dma_wait3A_395 = arith.constant 0 : i32
      %dma_wait3A_396 = tpu.memref_slice %arg9[%add3A_200, %dma_wait3A_395] : memref<104x128xi32, #tpu.memory_space<vmem>> -> memref<1x128xi32, #tpu.memory_space<vmem>>
      %dma_wait3A_397 = tpu.memref_squeeze %dma_wait3A_396 : memref<1x128xi32, #tpu.memory_space<vmem>> -> memref<128xi32, #tpu.memory_space<vmem>>
      %dma_wait3A_398 = arith.constant 0 : i32
      %dma_wait3A_399 = arith.constant 0 : i32
      %dma_wait3A_400 = tpu.memref_slice %arg5[%dma_wait3A_398, %dma_wait3A_399] : memref<2600000x16xf32, #tpu.memory_space<hbm>> -> memref<2600000x16xf32, #tpu.memory_space<hbm>>
      tpu.wait_indirect_dma semaphore(%arg14 : memref<!tpu.dma_semaphore, #tpu.memory_space<semaphore_mem>>) src(%dma_wait3A_400 : memref<2600000x16xf32, #tpu.memory_space<hbm>>) dst(%dma_wait3A_394 : memref<128x16xf32, #tpu.memory_space<vmem>>)
      %mul3A_401 = arith.constant 13 : i32
      %mul3A_402 = arith.muli %add3A_15, %mul3A_401 : i32
      %add3A_403 = arith.constant 3 : i32
      %add3A_404 = arith.addi %mul3A_402, %add3A_403 : i32
      %dma_start3A_405 = arith.constant 384 : i32
      %dma_start3A_406 = arith.constant 0 : i32
      %dma_start3A_407 = tpu.memref_slice %arg12[%dma_start3A_405, %dma_start3A_406] : memref<1664x16xf32, #tpu.memory_space<vmem>> -> memref<128x16xf32, #tpu.memory_space<vmem>>
      %dma_start3A_408 = arith.constant 0 : i32
      %dma_start3A_409 = tpu.memref_slice %arg10[%add3A_404, %dma_start3A_408] : memref<104x128xi32, #tpu.memory_space<vmem>> -> memref<1x128xi32, #tpu.memory_space<vmem>>
      %dma_start3A_410 = tpu.memref_squeeze %dma_start3A_409 : memref<1x128xi32, #tpu.memory_space<vmem>> -> memref<128xi32, #tpu.memory_space<vmem>>
      %dma_start3A_411 = arith.constant 0 : i32
      %dma_start3A_412 = arith.constant 0 : i32
      %dma_start3A_413 = tpu.memref_slice %arg7[%dma_start3A_411, %dma_start3A_412] : memref<524288x16xf32, #tpu.memory_space<hbm>> -> memref<524288x16xf32, #tpu.memory_space<hbm>>
      tpu.enqueue_indirect_dma source(%dma_start3A_407 : memref<128x16xf32, #tpu.memory_space<vmem>>) target(%dma_start3A_413 : memref<524288x16xf32, #tpu.memory_space<hbm>>) offsets(%dma_start3A_410 : memref<128xi32, #tpu.memory_space<vmem>>) semaphore(%arg15 : memref<!tpu.dma_semaphore, #tpu.memory_space<semaphore_mem>>)
      %dma_wait3A_414 = arith.constant 512 : i32
      %dma_wait3A_415 = arith.constant 0 : i32
      %dma_wait3A_416 = tpu.memref_slice %arg12[%dma_wait3A_414, %dma_wait3A_415] : memref<1664x16xf32, #tpu.memory_space<vmem>> -> memref<128x16xf32, #tpu.memory_space<vmem>>
      %dma_wait3A_417 = arith.constant 0 : i32
      %dma_wait3A_418 = tpu.memref_slice %arg9[%add3A_213, %dma_wait3A_417] : memref<104x128xi32, #tpu.memory_space<vmem>> -> memref<1x128xi32, #tpu.memory_space<vmem>>
      %dma_wait3A_419 = tpu.memref_squeeze %dma_wait3A_418 : memref<1x128xi32, #tpu.memory_space<vmem>> -> memref<128xi32, #tpu.memory_space<vmem>>
      %dma_wait3A_420 = arith.constant 0 : i32
      %dma_wait3A_421 = arith.constant 0 : i32
      %dma_wait3A_422 = tpu.memref_slice %arg5[%dma_wait3A_420, %dma_wait3A_421] : memref<2600000x16xf32, #tpu.memory_space<hbm>> -> memref<2600000x16xf32, #tpu.memory_space<hbm>>
      tpu.wait_indirect_dma semaphore(%arg14 : memref<!tpu.dma_semaphore, #tpu.memory_space<semaphore_mem>>) src(%dma_wait3A_422 : memref<2600000x16xf32, #tpu.memory_space<hbm>>) dst(%dma_wait3A_416 : memref<128x16xf32, #tpu.memory_space<vmem>>)
      %mul3A_423 = arith.constant 13 : i32
      %mul3A_424 = arith.muli %add3A_15, %mul3A_423 : i32
      %add3A_425 = arith.constant 4 : i32
      %add3A_426 = arith.addi %mul3A_424, %add3A_425 : i32
      %dma_start3A_427 = arith.constant 512 : i32
      %dma_start3A_428 = arith.constant 0 : i32
      %dma_start3A_429 = tpu.memref_slice %arg12[%dma_start3A_427, %dma_start3A_428] : memref<1664x16xf32, #tpu.memory_space<vmem>> -> memref<128x16xf32, #tpu.memory_space<vmem>>
      %dma_start3A_430 = arith.constant 0 : i32
      %dma_start3A_431 = tpu.memref_slice %arg10[%add3A_426, %dma_start3A_430] : memref<104x128xi32, #tpu.memory_space<vmem>> -> memref<1x128xi32, #tpu.memory_space<vmem>>
      %dma_start3A_432 = tpu.memref_squeeze %dma_start3A_431 : memref<1x128xi32, #tpu.memory_space<vmem>> -> memref<128xi32, #tpu.memory_space<vmem>>
      %dma_start3A_433 = arith.constant 0 : i32
      %dma_start3A_434 = arith.constant 0 : i32
      %dma_start3A_435 = tpu.memref_slice %arg7[%dma_start3A_433, %dma_start3A_434] : memref<524288x16xf32, #tpu.memory_space<hbm>> -> memref<524288x16xf32, #tpu.memory_space<hbm>>
      tpu.enqueue_indirect_dma source(%dma_start3A_429 : memref<128x16xf32, #tpu.memory_space<vmem>>) target(%dma_start3A_435 : memref<524288x16xf32, #tpu.memory_space<hbm>>) offsets(%dma_start3A_432 : memref<128xi32, #tpu.memory_space<vmem>>) semaphore(%arg15 : memref<!tpu.dma_semaphore, #tpu.memory_space<semaphore_mem>>)
      %dma_wait3A_436 = arith.constant 640 : i32
      %dma_wait3A_437 = arith.constant 0 : i32
      %dma_wait3A_438 = tpu.memref_slice %arg12[%dma_wait3A_436, %dma_wait3A_437] : memref<1664x16xf32, #tpu.memory_space<vmem>> -> memref<128x16xf32, #tpu.memory_space<vmem>>
      %dma_wait3A_439 = arith.constant 0 : i32
      %dma_wait3A_440 = tpu.memref_slice %arg9[%add3A_226, %dma_wait3A_439] : memref<104x128xi32, #tpu.memory_space<vmem>> -> memref<1x128xi32, #tpu.memory_space<vmem>>
      %dma_wait3A_441 = tpu.memref_squeeze %dma_wait3A_440 : memref<1x128xi32, #tpu.memory_space<vmem>> -> memref<128xi32, #tpu.memory_space<vmem>>
      %dma_wait3A_442 = arith.constant 0 : i32
      %dma_wait3A_443 = arith.constant 0 : i32
      %dma_wait3A_444 = tpu.memref_slice %arg5[%dma_wait3A_442, %dma_wait3A_443] : memref<2600000x16xf32, #tpu.memory_space<hbm>> -> memref<2600000x16xf32, #tpu.memory_space<hbm>>
      tpu.wait_indirect_dma semaphore(%arg14 : memref<!tpu.dma_semaphore, #tpu.memory_space<semaphore_mem>>) src(%dma_wait3A_444 : memref<2600000x16xf32, #tpu.memory_space<hbm>>) dst(%dma_wait3A_438 : memref<128x16xf32, #tpu.memory_space<vmem>>)
      %mul3A_445 = arith.constant 13 : i32
      %mul3A_446 = arith.muli %add3A_15, %mul3A_445 : i32
      %add3A_447 = arith.constant 5 : i32
      %add3A_448 = arith.addi %mul3A_446, %add3A_447 : i32
      %dma_start3A_449 = arith.constant 640 : i32
      %dma_start3A_450 = arith.constant 0 : i32
      %dma_start3A_451 = tpu.memref_slice %arg12[%dma_start3A_449, %dma_start3A_450] : memref<1664x16xf32, #tpu.memory_space<vmem>> -> memref<128x16xf32, #tpu.memory_space<vmem>>
      %dma_start3A_452 = arith.constant 0 : i32
      %dma_start3A_453 = tpu.memref_slice %arg10[%add3A_448, %dma_start3A_452] : memref<104x128xi32, #tpu.memory_space<vmem>> -> memref<1x128xi32, #tpu.memory_space<vmem>>
      %dma_start3A_454 = tpu.memref_squeeze %dma_start3A_453 : memref<1x128xi32, #tpu.memory_space<vmem>> -> memref<128xi32, #tpu.memory_space<vmem>>
      %dma_start3A_455 = arith.constant 0 : i32
      %dma_start3A_456 = arith.constant 0 : i32
      %dma_start3A_457 = tpu.memref_slice %arg7[%dma_start3A_455, %dma_start3A_456] : memref<524288x16xf32, #tpu.memory_space<hbm>> -> memref<524288x16xf32, #tpu.memory_space<hbm>>
      tpu.enqueue_indirect_dma source(%dma_start3A_451 : memref<128x16xf32, #tpu.memory_space<vmem>>) target(%dma_start3A_457 : memref<524288x16xf32, #tpu.memory_space<hbm>>) offsets(%dma_start3A_454 : memref<128xi32, #tpu.memory_space<vmem>>) semaphore(%arg15 : memref<!tpu.dma_semaphore, #tpu.memory_space<semaphore_mem>>)
      %dma_wait3A_458 = arith.constant 768 : i32
      %dma_wait3A_459 = arith.constant 0 : i32
      %dma_wait3A_460 = tpu.memref_slice %arg12[%dma_wait3A_458, %dma_wait3A_459] : memref<1664x16xf32, #tpu.memory_space<vmem>> -> memref<128x16xf32, #tpu.memory_space<vmem>>
      %dma_wait3A_461 = arith.constant 0 : i32
      %dma_wait3A_462 = tpu.memref_slice %arg9[%add3A_239, %dma_wait3A_461] : memref<104x128xi32, #tpu.memory_space<vmem>> -> memref<1x128xi32, #tpu.memory_space<vmem>>
      %dma_wait3A_463 = tpu.memref_squeeze %dma_wait3A_462 : memref<1x128xi32, #tpu.memory_space<vmem>> -> memref<128xi32, #tpu.memory_space<vmem>>
      %dma_wait3A_464 = arith.constant 0 : i32
      %dma_wait3A_465 = arith.constant 0 : i32
      %dma_wait3A_466 = tpu.memref_slice %arg5[%dma_wait3A_464, %dma_wait3A_465] : memref<2600000x16xf32, #tpu.memory_space<hbm>> -> memref<2600000x16xf32, #tpu.memory_space<hbm>>
      tpu.wait_indirect_dma semaphore(%arg14 : memref<!tpu.dma_semaphore, #tpu.memory_space<semaphore_mem>>) src(%dma_wait3A_466 : memref<2600000x16xf32, #tpu.memory_space<hbm>>) dst(%dma_wait3A_460 : memref<128x16xf32, #tpu.memory_space<vmem>>)
      %mul3A_467 = arith.constant 13 : i32
      %mul3A_468 = arith.muli %add3A_15, %mul3A_467 : i32
      %add3A_469 = arith.constant 6 : i32
      %add3A_470 = arith.addi %mul3A_468, %add3A_469 : i32
      %dma_start3A_471 = arith.constant 768 : i32
      %dma_start3A_472 = arith.constant 0 : i32
      %dma_start3A_473 = tpu.memref_slice %arg12[%dma_start3A_471, %dma_start3A_472] : memref<1664x16xf32, #tpu.memory_space<vmem>> -> memref<128x16xf32, #tpu.memory_space<vmem>>
      %dma_start3A_474 = arith.constant 0 : i32
      %dma_start3A_475 = tpu.memref_slice %arg10[%add3A_470, %dma_start3A_474] : memref<104x128xi32, #tpu.memory_space<vmem>> -> memref<1x128xi32, #tpu.memory_space<vmem>>
      %dma_start3A_476 = tpu.memref_squeeze %dma_start3A_475 : memref<1x128xi32, #tpu.memory_space<vmem>> -> memref<128xi32, #tpu.memory_space<vmem>>
      %dma_start3A_477 = arith.constant 0 : i32
      %dma_start3A_478 = arith.constant 0 : i32
      %dma_start3A_479 = tpu.memref_slice %arg7[%dma_start3A_477, %dma_start3A_478] : memref<524288x16xf32, #tpu.memory_space<hbm>> -> memref<524288x16xf32, #tpu.memory_space<hbm>>
      tpu.enqueue_indirect_dma source(%dma_start3A_473 : memref<128x16xf32, #tpu.memory_space<vmem>>) target(%dma_start3A_479 : memref<524288x16xf32, #tpu.memory_space<hbm>>) offsets(%dma_start3A_476 : memref<128xi32, #tpu.memory_space<vmem>>) semaphore(%arg15 : memref<!tpu.dma_semaphore, #tpu.memory_space<semaphore_mem>>)
      %dma_wait3A_480 = arith.constant 896 : i32
      %dma_wait3A_481 = arith.constant 0 : i32
      %dma_wait3A_482 = tpu.memref_slice %arg12[%dma_wait3A_480, %dma_wait3A_481] : memref<1664x16xf32, #tpu.memory_space<vmem>> -> memref<128x16xf32, #tpu.memory_space<vmem>>
      %dma_wait3A_483 = arith.constant 0 : i32
      %dma_wait3A_484 = tpu.memref_slice %arg9[%add3A_252, %dma_wait3A_483] : memref<104x128xi32, #tpu.memory_space<vmem>> -> memref<1x128xi32, #tpu.memory_space<vmem>>
      %dma_wait3A_485 = tpu.memref_squeeze %dma_wait3A_484 : memref<1x128xi32, #tpu.memory_space<vmem>> -> memref<128xi32, #tpu.memory_space<vmem>>
      %dma_wait3A_486 = arith.constant 0 : i32
      %dma_wait3A_487 = arith.constant 0 : i32
      %dma_wait3A_488 = tpu.memref_slice %arg5[%dma_wait3A_486, %dma_wait3A_487] : memref<2600000x16xf32, #tpu.memory_space<hbm>> -> memref<2600000x16xf32, #tpu.memory_space<hbm>>
      tpu.wait_indirect_dma semaphore(%arg14 : memref<!tpu.dma_semaphore, #tpu.memory_space<semaphore_mem>>) src(%dma_wait3A_488 : memref<2600000x16xf32, #tpu.memory_space<hbm>>) dst(%dma_wait3A_482 : memref<128x16xf32, #tpu.memory_space<vmem>>)
      %mul3A_489 = arith.constant 13 : i32
      %mul3A_490 = arith.muli %add3A_15, %mul3A_489 : i32
      %add3A_491 = arith.constant 7 : i32
      %add3A_492 = arith.addi %mul3A_490, %add3A_491 : i32
      %dma_start3A_493 = arith.constant 896 : i32
      %dma_start3A_494 = arith.constant 0 : i32
      %dma_start3A_495 = tpu.memref_slice %arg12[%dma_start3A_493, %dma_start3A_494] : memref<1664x16xf32, #tpu.memory_space<vmem>> -> memref<128x16xf32, #tpu.memory_space<vmem>>
      %dma_start3A_496 = arith.constant 0 : i32
      %dma_start3A_497 = tpu.memref_slice %arg10[%add3A_492, %dma_start3A_496] : memref<104x128xi32, #tpu.memory_space<vmem>> -> memref<1x128xi32, #tpu.memory_space<vmem>>
      %dma_start3A_498 = tpu.memref_squeeze %dma_start3A_497 : memref<1x128xi32, #tpu.memory_space<vmem>> -> memref<128xi32, #tpu.memory_space<vmem>>
      %dma_start3A_499 = arith.constant 0 : i32
      %dma_start3A_500 = arith.constant 0 : i32
      %dma_start3A_501 = tpu.memref_slice %arg7[%dma_start3A_499, %dma_start3A_500] : memref<524288x16xf32, #tpu.memory_space<hbm>> -> memref<524288x16xf32, #tpu.memory_space<hbm>>
      tpu.enqueue_indirect_dma source(%dma_start3A_495 : memref<128x16xf32, #tpu.memory_space<vmem>>) target(%dma_start3A_501 : memref<524288x16xf32, #tpu.memory_space<hbm>>) offsets(%dma_start3A_498 : memref<128xi32, #tpu.memory_space<vmem>>) semaphore(%arg15 : memref<!tpu.dma_semaphore, #tpu.memory_space<semaphore_mem>>)
      %dma_wait3A_502 = arith.constant 1024 : i32
      %dma_wait3A_503 = arith.constant 0 : i32
      %dma_wait3A_504 = tpu.memref_slice %arg12[%dma_wait3A_502, %dma_wait3A_503] : memref<1664x16xf32, #tpu.memory_space<vmem>> -> memref<128x16xf32, #tpu.memory_space<vmem>>
      %dma_wait3A_505 = arith.constant 0 : i32
      %dma_wait3A_506 = tpu.memref_slice %arg9[%add3A_265, %dma_wait3A_505] : memref<104x128xi32, #tpu.memory_space<vmem>> -> memref<1x128xi32, #tpu.memory_space<vmem>>
      %dma_wait3A_507 = tpu.memref_squeeze %dma_wait3A_506 : memref<1x128xi32, #tpu.memory_space<vmem>> -> memref<128xi32, #tpu.memory_space<vmem>>
      %dma_wait3A_508 = arith.constant 0 : i32
      %dma_wait3A_509 = arith.constant 0 : i32
      %dma_wait3A_510 = tpu.memref_slice %arg5[%dma_wait3A_508, %dma_wait3A_509] : memref<2600000x16xf32, #tpu.memory_space<hbm>> -> memref<2600000x16xf32, #tpu.memory_space<hbm>>
      tpu.wait_indirect_dma semaphore(%arg14 : memref<!tpu.dma_semaphore, #tpu.memory_space<semaphore_mem>>) src(%dma_wait3A_510 : memref<2600000x16xf32, #tpu.memory_space<hbm>>) dst(%dma_wait3A_504 : memref<128x16xf32, #tpu.memory_space<vmem>>)
      %mul3A_511 = arith.constant 13 : i32
      %mul3A_512 = arith.muli %add3A_15, %mul3A_511 : i32
      %add3A_513 = arith.constant 8 : i32
      %add3A_514 = arith.addi %mul3A_512, %add3A_513 : i32
      %dma_start3A_515 = arith.constant 1024 : i32
      %dma_start3A_516 = arith.constant 0 : i32
      %dma_start3A_517 = tpu.memref_slice %arg12[%dma_start3A_515, %dma_start3A_516] : memref<1664x16xf32, #tpu.memory_space<vmem>> -> memref<128x16xf32, #tpu.memory_space<vmem>>
      %dma_start3A_518 = arith.constant 0 : i32
      %dma_start3A_519 = tpu.memref_slice %arg10[%add3A_514, %dma_start3A_518] : memref<104x128xi32, #tpu.memory_space<vmem>> -> memref<1x128xi32, #tpu.memory_space<vmem>>
      %dma_start3A_520 = tpu.memref_squeeze %dma_start3A_519 : memref<1x128xi32, #tpu.memory_space<vmem>> -> memref<128xi32, #tpu.memory_space<vmem>>
      %dma_start3A_521 = arith.constant 0 : i32
      %dma_start3A_522 = arith.constant 0 : i32
      %dma_start3A_523 = tpu.memref_slice %arg7[%dma_start3A_521, %dma_start3A_522] : memref<524288x16xf32, #tpu.memory_space<hbm>> -> memref<524288x16xf32, #tpu.memory_space<hbm>>
      tpu.enqueue_indirect_dma source(%dma_start3A_517 : memref<128x16xf32, #tpu.memory_space<vmem>>) target(%dma_start3A_523 : memref<524288x16xf32, #tpu.memory_space<hbm>>) offsets(%dma_start3A_520 : memref<128xi32, #tpu.memory_space<vmem>>) semaphore(%arg15 : memref<!tpu.dma_semaphore, #tpu.memory_space<semaphore_mem>>)
      %dma_wait3A_524 = arith.constant 1152 : i32
      %dma_wait3A_525 = arith.constant 0 : i32
      %dma_wait3A_526 = tpu.memref_slice %arg12[%dma_wait3A_524, %dma_wait3A_525] : memref<1664x16xf32, #tpu.memory_space<vmem>> -> memref<128x16xf32, #tpu.memory_space<vmem>>
      %dma_wait3A_527 = arith.constant 0 : i32
      %dma_wait3A_528 = tpu.memref_slice %arg9[%add3A_278, %dma_wait3A_527] : memref<104x128xi32, #tpu.memory_space<vmem>> -> memref<1x128xi32, #tpu.memory_space<vmem>>
      %dma_wait3A_529 = tpu.memref_squeeze %dma_wait3A_528 : memref<1x128xi32, #tpu.memory_space<vmem>> -> memref<128xi32, #tpu.memory_space<vmem>>
      %dma_wait3A_530 = arith.constant 0 : i32
      %dma_wait3A_531 = arith.constant 0 : i32
      %dma_wait3A_532 = tpu.memref_slice %arg5[%dma_wait3A_530, %dma_wait3A_531] : memref<2600000x16xf32, #tpu.memory_space<hbm>> -> memref<2600000x16xf32, #tpu.memory_space<hbm>>
      tpu.wait_indirect_dma semaphore(%arg14 : memref<!tpu.dma_semaphore, #tpu.memory_space<semaphore_mem>>) src(%dma_wait3A_532 : memref<2600000x16xf32, #tpu.memory_space<hbm>>) dst(%dma_wait3A_526 : memref<128x16xf32, #tpu.memory_space<vmem>>)
      %mul3A_533 = arith.constant 13 : i32
      %mul3A_534 = arith.muli %add3A_15, %mul3A_533 : i32
      %add3A_535 = arith.constant 9 : i32
      %add3A_536 = arith.addi %mul3A_534, %add3A_535 : i32
      %dma_start3A_537 = arith.constant 1152 : i32
      %dma_start3A_538 = arith.constant 0 : i32
      %dma_start3A_539 = tpu.memref_slice %arg12[%dma_start3A_537, %dma_start3A_538] : memref<1664x16xf32, #tpu.memory_space<vmem>> -> memref<128x16xf32, #tpu.memory_space<vmem>>
      %dma_start3A_540 = arith.constant 0 : i32
      %dma_start3A_541 = tpu.memref_slice %arg10[%add3A_536, %dma_start3A_540] : memref<104x128xi32, #tpu.memory_space<vmem>> -> memref<1x128xi32, #tpu.memory_space<vmem>>
      %dma_start3A_542 = tpu.memref_squeeze %dma_start3A_541 : memref<1x128xi32, #tpu.memory_space<vmem>> -> memref<128xi32, #tpu.memory_space<vmem>>
      %dma_start3A_543 = arith.constant 0 : i32
      %dma_start3A_544 = arith.constant 0 : i32
      %dma_start3A_545 = tpu.memref_slice %arg7[%dma_start3A_543, %dma_start3A_544] : memref<524288x16xf32, #tpu.memory_space<hbm>> -> memref<524288x16xf32, #tpu.memory_space<hbm>>
      tpu.enqueue_indirect_dma source(%dma_start3A_539 : memref<128x16xf32, #tpu.memory_space<vmem>>) target(%dma_start3A_545 : memref<524288x16xf32, #tpu.memory_space<hbm>>) offsets(%dma_start3A_542 : memref<128xi32, #tpu.memory_space<vmem>>) semaphore(%arg15 : memref<!tpu.dma_semaphore, #tpu.memory_space<semaphore_mem>>)
      %dma_wait3A_546 = arith.constant 1280 : i32
      %dma_wait3A_547 = arith.constant 0 : i32
      %dma_wait3A_548 = tpu.memref_slice %arg12[%dma_wait3A_546, %dma_wait3A_547] : memref<1664x16xf32, #tpu.memory_space<vmem>> -> memref<128x16xf32, #tpu.memory_space<vmem>>
      %dma_wait3A_549 = arith.constant 0 : i32
      %dma_wait3A_550 = tpu.memref_slice %arg9[%add3A_291, %dma_wait3A_549] : memref<104x128xi32, #tpu.memory_space<vmem>> -> memref<1x128xi32, #tpu.memory_space<vmem>>
      %dma_wait3A_551 = tpu.memref_squeeze %dma_wait3A_550 : memref<1x128xi32, #tpu.memory_space<vmem>> -> memref<128xi32, #tpu.memory_space<vmem>>
      %dma_wait3A_552 = arith.constant 0 : i32
      %dma_wait3A_553 = arith.constant 0 : i32
      %dma_wait3A_554 = tpu.memref_slice %arg5[%dma_wait3A_552, %dma_wait3A_553] : memref<2600000x16xf32, #tpu.memory_space<hbm>> -> memref<2600000x16xf32, #tpu.memory_space<hbm>>
      tpu.wait_indirect_dma semaphore(%arg14 : memref<!tpu.dma_semaphore, #tpu.memory_space<semaphore_mem>>) src(%dma_wait3A_554 : memref<2600000x16xf32, #tpu.memory_space<hbm>>) dst(%dma_wait3A_548 : memref<128x16xf32, #tpu.memory_space<vmem>>)
      %mul3A_555 = arith.constant 13 : i32
      %mul3A_556 = arith.muli %add3A_15, %mul3A_555 : i32
      %add3A_557 = arith.constant 10 : i32
      %add3A_558 = arith.addi %mul3A_556, %add3A_557 : i32
      %dma_start3A_559 = arith.constant 1280 : i32
      %dma_start3A_560 = arith.constant 0 : i32
      %dma_start3A_561 = tpu.memref_slice %arg12[%dma_start3A_559, %dma_start3A_560] : memref<1664x16xf32, #tpu.memory_space<vmem>> -> memref<128x16xf32, #tpu.memory_space<vmem>>
      %dma_start3A_562 = arith.constant 0 : i32
      %dma_start3A_563 = tpu.memref_slice %arg10[%add3A_558, %dma_start3A_562] : memref<104x128xi32, #tpu.memory_space<vmem>> -> memref<1x128xi32, #tpu.memory_space<vmem>>
      %dma_start3A_564 = tpu.memref_squeeze %dma_start3A_563 : memref<1x128xi32, #tpu.memory_space<vmem>> -> memref<128xi32, #tpu.memory_space<vmem>>
      %dma_start3A_565 = arith.constant 0 : i32
      %dma_start3A_566 = arith.constant 0 : i32
      %dma_start3A_567 = tpu.memref_slice %arg7[%dma_start3A_565, %dma_start3A_566] : memref<524288x16xf32, #tpu.memory_space<hbm>> -> memref<524288x16xf32, #tpu.memory_space<hbm>>
      tpu.enqueue_indirect_dma source(%dma_start3A_561 : memref<128x16xf32, #tpu.memory_space<vmem>>) target(%dma_start3A_567 : memref<524288x16xf32, #tpu.memory_space<hbm>>) offsets(%dma_start3A_564 : memref<128xi32, #tpu.memory_space<vmem>>) semaphore(%arg15 : memref<!tpu.dma_semaphore, #tpu.memory_space<semaphore_mem>>)
      %dma_wait3A_568 = arith.constant 1408 : i32
      %dma_wait3A_569 = arith.constant 0 : i32
      %dma_wait3A_570 = tpu.memref_slice %arg12[%dma_wait3A_568, %dma_wait3A_569] : memref<1664x16xf32, #tpu.memory_space<vmem>> -> memref<128x16xf32, #tpu.memory_space<vmem>>
      %dma_wait3A_571 = arith.constant 0 : i32
      %dma_wait3A_572 = tpu.memref_slice %arg9[%add3A_304, %dma_wait3A_571] : memref<104x128xi32, #tpu.memory_space<vmem>> -> memref<1x128xi32, #tpu.memory_space<vmem>>
      %dma_wait3A_573 = tpu.memref_squeeze %dma_wait3A_572 : memref<1x128xi32, #tpu.memory_space<vmem>> -> memref<128xi32, #tpu.memory_space<vmem>>
      %dma_wait3A_574 = arith.constant 0 : i32
      %dma_wait3A_575 = arith.constant 0 : i32
      %dma_wait3A_576 = tpu.memref_slice %arg5[%dma_wait3A_574, %dma_wait3A_575] : memref<2600000x16xf32, #tpu.memory_space<hbm>> -> memref<2600000x16xf32, #tpu.memory_space<hbm>>
      tpu.wait_indirect_dma semaphore(%arg14 : memref<!tpu.dma_semaphore, #tpu.memory_space<semaphore_mem>>) src(%dma_wait3A_576 : memref<2600000x16xf32, #tpu.memory_space<hbm>>) dst(%dma_wait3A_570 : memref<128x16xf32, #tpu.memory_space<vmem>>)
      %mul3A_577 = arith.constant 13 : i32
      %mul3A_578 = arith.muli %add3A_15, %mul3A_577 : i32
      %add3A_579 = arith.constant 11 : i32
      %add3A_580 = arith.addi %mul3A_578, %add3A_579 : i32
      %dma_start3A_581 = arith.constant 1408 : i32
      %dma_start3A_582 = arith.constant 0 : i32
      %dma_start3A_583 = tpu.memref_slice %arg12[%dma_start3A_581, %dma_start3A_582] : memref<1664x16xf32, #tpu.memory_space<vmem>> -> memref<128x16xf32, #tpu.memory_space<vmem>>
      %dma_start3A_584 = arith.constant 0 : i32
      %dma_start3A_585 = tpu.memref_slice %arg10[%add3A_580, %dma_start3A_584] : memref<104x128xi32, #tpu.memory_space<vmem>> -> memref<1x128xi32, #tpu.memory_space<vmem>>
      %dma_start3A_586 = tpu.memref_squeeze %dma_start3A_585 : memref<1x128xi32, #tpu.memory_space<vmem>> -> memref<128xi32, #tpu.memory_space<vmem>>
      %dma_start3A_587 = arith.constant 0 : i32
      %dma_start3A_588 = arith.constant 0 : i32
      %dma_start3A_589 = tpu.memref_slice %arg7[%dma_start3A_587, %dma_start3A_588] : memref<524288x16xf32, #tpu.memory_space<hbm>> -> memref<524288x16xf32, #tpu.memory_space<hbm>>
      tpu.enqueue_indirect_dma source(%dma_start3A_583 : memref<128x16xf32, #tpu.memory_space<vmem>>) target(%dma_start3A_589 : memref<524288x16xf32, #tpu.memory_space<hbm>>) offsets(%dma_start3A_586 : memref<128xi32, #tpu.memory_space<vmem>>) semaphore(%arg15 : memref<!tpu.dma_semaphore, #tpu.memory_space<semaphore_mem>>)
      %dma_wait3A_590 = arith.constant 1536 : i32
      %dma_wait3A_591 = arith.constant 0 : i32
      %dma_wait3A_592 = tpu.memref_slice %arg12[%dma_wait3A_590, %dma_wait3A_591] : memref<1664x16xf32, #tpu.memory_space<vmem>> -> memref<128x16xf32, #tpu.memory_space<vmem>>
      %dma_wait3A_593 = arith.constant 0 : i32
      %dma_wait3A_594 = tpu.memref_slice %arg9[%add3A_317, %dma_wait3A_593] : memref<104x128xi32, #tpu.memory_space<vmem>> -> memref<1x128xi32, #tpu.memory_space<vmem>>
      %dma_wait3A_595 = tpu.memref_squeeze %dma_wait3A_594 : memref<1x128xi32, #tpu.memory_space<vmem>> -> memref<128xi32, #tpu.memory_space<vmem>>
      %dma_wait3A_596 = arith.constant 0 : i32
      %dma_wait3A_597 = arith.constant 0 : i32
      %dma_wait3A_598 = tpu.memref_slice %arg5[%dma_wait3A_596, %dma_wait3A_597] : memref<2600000x16xf32, #tpu.memory_space<hbm>> -> memref<2600000x16xf32, #tpu.memory_space<hbm>>
      tpu.wait_indirect_dma semaphore(%arg14 : memref<!tpu.dma_semaphore, #tpu.memory_space<semaphore_mem>>) src(%dma_wait3A_598 : memref<2600000x16xf32, #tpu.memory_space<hbm>>) dst(%dma_wait3A_592 : memref<128x16xf32, #tpu.memory_space<vmem>>)
      %mul3A_599 = arith.constant 13 : i32
      %mul3A_600 = arith.muli %add3A_15, %mul3A_599 : i32
      %add3A_601 = arith.constant 12 : i32
      %add3A_602 = arith.addi %mul3A_600, %add3A_601 : i32
      %dma_start3A_603 = arith.constant 1536 : i32
      %dma_start3A_604 = arith.constant 0 : i32
      %dma_start3A_605 = tpu.memref_slice %arg12[%dma_start3A_603, %dma_start3A_604] : memref<1664x16xf32, #tpu.memory_space<vmem>> -> memref<128x16xf32, #tpu.memory_space<vmem>>
      %dma_start3A_606 = arith.constant 0 : i32
      %dma_start3A_607 = tpu.memref_slice %arg10[%add3A_602, %dma_start3A_606] : memref<104x128xi32, #tpu.memory_space<vmem>> -> memref<1x128xi32, #tpu.memory_space<vmem>>
      %dma_start3A_608 = tpu.memref_squeeze %dma_start3A_607 : memref<1x128xi32, #tpu.memory_space<vmem>> -> memref<128xi32, #tpu.memory_space<vmem>>
      %dma_start3A_609 = arith.constant 0 : i32
      %dma_start3A_610 = arith.constant 0 : i32
      %dma_start3A_611 = tpu.memref_slice %arg7[%dma_start3A_609, %dma_start3A_610] : memref<524288x16xf32, #tpu.memory_space<hbm>> -> memref<524288x16xf32, #tpu.memory_space<hbm>>
      tpu.enqueue_indirect_dma source(%dma_start3A_605 : memref<128x16xf32, #tpu.memory_space<vmem>>) target(%dma_start3A_611 : memref<524288x16xf32, #tpu.memory_space<hbm>>) offsets(%dma_start3A_608 : memref<128xi32, #tpu.memory_space<vmem>>) semaphore(%arg15 : memref<!tpu.dma_semaphore, #tpu.memory_space<semaphore_mem>>)
      %dma_wait3A_612 = arith.constant 0 : i32
      %dma_wait3A_613 = tpu.memref_slice %arg13[%dma_wait3A_612] : memref<1664xf32, #tpu.memory_space<vmem>> -> memref<128xf32, #tpu.memory_space<vmem>>
      %dma_wait3A_614 = arith.constant 0 : i32
      %dma_wait3A_615 = tpu.memref_slice %arg11[%add3A_19, %dma_wait3A_614] : memref<104x128xi32, #tpu.memory_space<vmem>> -> memref<1x128xi32, #tpu.memory_space<vmem>>
      %dma_wait3A_616 = tpu.memref_squeeze %dma_wait3A_615 : memref<1x128xi32, #tpu.memory_space<vmem>> -> memref<128xi32, #tpu.memory_space<vmem>>
      %dma_wait3A_617 = arith.constant 0 : i32
      %dma_wait3A_618 = tpu.memref_slice %arg6[%dma_wait3A_617] : memref<2600000xf32, #tpu.memory_space<hbm>> -> memref<2600000xf32, #tpu.memory_space<hbm>>
      tpu.wait_indirect_dma semaphore(%arg16 : memref<!tpu.dma_semaphore, #tpu.memory_space<semaphore_mem>>) src(%dma_wait3A_618 : memref<2600000xf32, #tpu.memory_space<hbm>>) dst(%dma_wait3A_613 : memref<128xf32, #tpu.memory_space<vmem>>)
      %dma_wait3A_619 = arith.constant 128 : i32
      %dma_wait3A_620 = tpu.memref_slice %arg13[%dma_wait3A_619] : memref<1664xf32, #tpu.memory_space<vmem>> -> memref<128xf32, #tpu.memory_space<vmem>>
      %dma_wait3A_621 = arith.constant 0 : i32
      %dma_wait3A_622 = tpu.memref_slice %arg11[%add3A_29, %dma_wait3A_621] : memref<104x128xi32, #tpu.memory_space<vmem>> -> memref<1x128xi32, #tpu.memory_space<vmem>>
      %dma_wait3A_623 = tpu.memref_squeeze %dma_wait3A_622 : memref<1x128xi32, #tpu.memory_space<vmem>> -> memref<128xi32, #tpu.memory_space<vmem>>
      %dma_wait3A_624 = arith.constant 0 : i32
      %dma_wait3A_625 = tpu.memref_slice %arg6[%dma_wait3A_624] : memref<2600000xf32, #tpu.memory_space<hbm>> -> memref<2600000xf32, #tpu.memory_space<hbm>>
      tpu.wait_indirect_dma semaphore(%arg16 : memref<!tpu.dma_semaphore, #tpu.memory_space<semaphore_mem>>) src(%dma_wait3A_625 : memref<2600000xf32, #tpu.memory_space<hbm>>) dst(%dma_wait3A_620 : memref<128xf32, #tpu.memory_space<vmem>>)
      %dma_wait3A_626 = arith.constant 256 : i32
      %dma_wait3A_627 = tpu.memref_slice %arg13[%dma_wait3A_626] : memref<1664xf32, #tpu.memory_space<vmem>> -> memref<128xf32, #tpu.memory_space<vmem>>
      %dma_wait3A_628 = arith.constant 0 : i32
      %dma_wait3A_629 = tpu.memref_slice %arg11[%add3A_40, %dma_wait3A_628] : memref<104x128xi32, #tpu.memory_space<vmem>> -> memref<1x128xi32, #tpu.memory_space<vmem>>
      %dma_wait3A_630 = tpu.memref_squeeze %dma_wait3A_629 : memref<1x128xi32, #tpu.memory_space<vmem>> -> memref<128xi32, #tpu.memory_space<vmem>>
      %dma_wait3A_631 = arith.constant 0 : i32
      %dma_wait3A_632 = tpu.memref_slice %arg6[%dma_wait3A_631] : memref<2600000xf32, #tpu.memory_space<hbm>> -> memref<2600000xf32, #tpu.memory_space<hbm>>
      tpu.wait_indirect_dma semaphore(%arg16 : memref<!tpu.dma_semaphore, #tpu.memory_space<semaphore_mem>>) src(%dma_wait3A_632 : memref<2600000xf32, #tpu.memory_space<hbm>>) dst(%dma_wait3A_627 : memref<128xf32, #tpu.memory_space<vmem>>)
      %dma_wait3A_633 = arith.constant 384 : i32
      %dma_wait3A_634 = tpu.memref_slice %arg13[%dma_wait3A_633] : memref<1664xf32, #tpu.memory_space<vmem>> -> memref<128xf32, #tpu.memory_space<vmem>>
      %dma_wait3A_635 = arith.constant 0 : i32
      %dma_wait3A_636 = tpu.memref_slice %arg11[%add3A_51, %dma_wait3A_635] : memref<104x128xi32, #tpu.memory_space<vmem>> -> memref<1x128xi32, #tpu.memory_space<vmem>>
      %dma_wait3A_637 = tpu.memref_squeeze %dma_wait3A_636 : memref<1x128xi32, #tpu.memory_space<vmem>> -> memref<128xi32, #tpu.memory_space<vmem>>
      %dma_wait3A_638 = arith.constant 0 : i32
      %dma_wait3A_639 = tpu.memref_slice %arg6[%dma_wait3A_638] : memref<2600000xf32, #tpu.memory_space<hbm>> -> memref<2600000xf32, #tpu.memory_space<hbm>>
      tpu.wait_indirect_dma semaphore(%arg16 : memref<!tpu.dma_semaphore, #tpu.memory_space<semaphore_mem>>) src(%dma_wait3A_639 : memref<2600000xf32, #tpu.memory_space<hbm>>) dst(%dma_wait3A_634 : memref<128xf32, #tpu.memory_space<vmem>>)
      %dma_wait3A_640 = arith.constant 512 : i32
      %dma_wait3A_641 = tpu.memref_slice %arg13[%dma_wait3A_640] : memref<1664xf32, #tpu.memory_space<vmem>> -> memref<128xf32, #tpu.memory_space<vmem>>
      %dma_wait3A_642 = arith.constant 0 : i32
      %dma_wait3A_643 = tpu.memref_slice %arg11[%add3A_62, %dma_wait3A_642] : memref<104x128xi32, #tpu.memory_space<vmem>> -> memref<1x128xi32, #tpu.memory_space<vmem>>
      %dma_wait3A_644 = tpu.memref_squeeze %dma_wait3A_643 : memref<1x128xi32, #tpu.memory_space<vmem>> -> memref<128xi32, #tpu.memory_space<vmem>>
      %dma_wait3A_645 = arith.constant 0 : i32
      %dma_wait3A_646 = tpu.memref_slice %arg6[%dma_wait3A_645] : memref<2600000xf32, #tpu.memory_space<hbm>> -> memref<2600000xf32, #tpu.memory_space<hbm>>
      tpu.wait_indirect_dma semaphore(%arg16 : memref<!tpu.dma_semaphore, #tpu.memory_space<semaphore_mem>>) src(%dma_wait3A_646 : memref<2600000xf32, #tpu.memory_space<hbm>>) dst(%dma_wait3A_641 : memref<128xf32, #tpu.memory_space<vmem>>)
      %dma_wait3A_647 = arith.constant 640 : i32
      %dma_wait3A_648 = tpu.memref_slice %arg13[%dma_wait3A_647] : memref<1664xf32, #tpu.memory_space<vmem>> -> memref<128xf32, #tpu.memory_space<vmem>>
      %dma_wait3A_649 = arith.constant 0 : i32
      %dma_wait3A_650 = tpu.memref_slice %arg11[%add3A_73, %dma_wait3A_649] : memref<104x128xi32, #tpu.memory_space<vmem>> -> memref<1x128xi32, #tpu.memory_space<vmem>>
      %dma_wait3A_651 = tpu.memref_squeeze %dma_wait3A_650 : memref<1x128xi32, #tpu.memory_space<vmem>> -> memref<128xi32, #tpu.memory_space<vmem>>
      %dma_wait3A_652 = arith.constant 0 : i32
      %dma_wait3A_653 = tpu.memref_slice %arg6[%dma_wait3A_652] : memref<2600000xf32, #tpu.memory_space<hbm>> -> memref<2600000xf32, #tpu.memory_space<hbm>>
      tpu.wait_indirect_dma semaphore(%arg16 : memref<!tpu.dma_semaphore, #tpu.memory_space<semaphore_mem>>) src(%dma_wait3A_653 : memref<2600000xf32, #tpu.memory_space<hbm>>) dst(%dma_wait3A_648 : memref<128xf32, #tpu.memory_space<vmem>>)
      %dma_wait3A_654 = arith.constant 768 : i32
      %dma_wait3A_655 = tpu.memref_slice %arg13[%dma_wait3A_654] : memref<1664xf32, #tpu.memory_space<vmem>> -> memref<128xf32, #tpu.memory_space<vmem>>
      %dma_wait3A_656 = arith.constant 0 : i32
      %dma_wait3A_657 = tpu.memref_slice %arg11[%add3A_84, %dma_wait3A_656] : memref<104x128xi32, #tpu.memory_space<vmem>> -> memref<1x128xi32, #tpu.memory_space<vmem>>
      %dma_wait3A_658 = tpu.memref_squeeze %dma_wait3A_657 : memref<1x128xi32, #tpu.memory_space<vmem>> -> memref<128xi32, #tpu.memory_space<vmem>>
      %dma_wait3A_659 = arith.constant 0 : i32
      %dma_wait3A_660 = tpu.memref_slice %arg6[%dma_wait3A_659] : memref<2600000xf32, #tpu.memory_space<hbm>> -> memref<2600000xf32, #tpu.memory_space<hbm>>
      tpu.wait_indirect_dma semaphore(%arg16 : memref<!tpu.dma_semaphore, #tpu.memory_space<semaphore_mem>>) src(%dma_wait3A_660 : memref<2600000xf32, #tpu.memory_space<hbm>>) dst(%dma_wait3A_655 : memref<128xf32, #tpu.memory_space<vmem>>)
      %dma_wait3A_661 = arith.constant 896 : i32
      %dma_wait3A_662 = tpu.memref_slice %arg13[%dma_wait3A_661] : memref<1664xf32, #tpu.memory_space<vmem>> -> memref<128xf32, #tpu.memory_space<vmem>>
      %dma_wait3A_663 = arith.constant 0 : i32
      %dma_wait3A_664 = tpu.memref_slice %arg11[%add3A_95, %dma_wait3A_663] : memref<104x128xi32, #tpu.memory_space<vmem>> -> memref<1x128xi32, #tpu.memory_space<vmem>>
      %dma_wait3A_665 = tpu.memref_squeeze %dma_wait3A_664 : memref<1x128xi32, #tpu.memory_space<vmem>> -> memref<128xi32, #tpu.memory_space<vmem>>
      %dma_wait3A_666 = arith.constant 0 : i32
      %dma_wait3A_667 = tpu.memref_slice %arg6[%dma_wait3A_666] : memref<2600000xf32, #tpu.memory_space<hbm>> -> memref<2600000xf32, #tpu.memory_space<hbm>>
      tpu.wait_indirect_dma semaphore(%arg16 : memref<!tpu.dma_semaphore, #tpu.memory_space<semaphore_mem>>) src(%dma_wait3A_667 : memref<2600000xf32, #tpu.memory_space<hbm>>) dst(%dma_wait3A_662 : memref<128xf32, #tpu.memory_space<vmem>>)
      %dma_wait3A_668 = arith.constant 1024 : i32
      %dma_wait3A_669 = tpu.memref_slice %arg13[%dma_wait3A_668] : memref<1664xf32, #tpu.memory_space<vmem>> -> memref<128xf32, #tpu.memory_space<vmem>>
      %dma_wait3A_670 = arith.constant 0 : i32
      %dma_wait3A_671 = tpu.memref_slice %arg11[%add3A_106, %dma_wait3A_670] : memref<104x128xi32, #tpu.memory_space<vmem>> -> memref<1x128xi32, #tpu.memory_space<vmem>>
      %dma_wait3A_672 = tpu.memref_squeeze %dma_wait3A_671 : memref<1x128xi32, #tpu.memory_space<vmem>> -> memref<128xi32, #tpu.memory_space<vmem>>
      %dma_wait3A_673 = arith.constant 0 : i32
      %dma_wait3A_674 = tpu.memref_slice %arg6[%dma_wait3A_673] : memref<2600000xf32, #tpu.memory_space<hbm>> -> memref<2600000xf32, #tpu.memory_space<hbm>>
      tpu.wait_indirect_dma semaphore(%arg16 : memref<!tpu.dma_semaphore, #tpu.memory_space<semaphore_mem>>) src(%dma_wait3A_674 : memref<2600000xf32, #tpu.memory_space<hbm>>) dst(%dma_wait3A_669 : memref<128xf32, #tpu.memory_space<vmem>>)
      %dma_wait3A_675 = arith.constant 1152 : i32
      %dma_wait3A_676 = tpu.memref_slice %arg13[%dma_wait3A_675] : memref<1664xf32, #tpu.memory_space<vmem>> -> memref<128xf32, #tpu.memory_space<vmem>>
      %dma_wait3A_677 = arith.constant 0 : i32
      %dma_wait3A_678 = tpu.memref_slice %arg11[%add3A_117, %dma_wait3A_677] : memref<104x128xi32, #tpu.memory_space<vmem>> -> memref<1x128xi32, #tpu.memory_space<vmem>>
      %dma_wait3A_679 = tpu.memref_squeeze %dma_wait3A_678 : memref<1x128xi32, #tpu.memory_space<vmem>> -> memref<128xi32, #tpu.memory_space<vmem>>
      %dma_wait3A_680 = arith.constant 0 : i32
      %dma_wait3A_681 = tpu.memref_slice %arg6[%dma_wait3A_680] : memref<2600000xf32, #tpu.memory_space<hbm>> -> memref<2600000xf32, #tpu.memory_space<hbm>>
      tpu.wait_indirect_dma semaphore(%arg16 : memref<!tpu.dma_semaphore, #tpu.memory_space<semaphore_mem>>) src(%dma_wait3A_681 : memref<2600000xf32, #tpu.memory_space<hbm>>) dst(%dma_wait3A_676 : memref<128xf32, #tpu.memory_space<vmem>>)
      %dma_wait3A_682 = arith.constant 1280 : i32
      %dma_wait3A_683 = tpu.memref_slice %arg13[%dma_wait3A_682] : memref<1664xf32, #tpu.memory_space<vmem>> -> memref<128xf32, #tpu.memory_space<vmem>>
      %dma_wait3A_684 = arith.constant 0 : i32
      %dma_wait3A_685 = tpu.memref_slice %arg11[%add3A_128, %dma_wait3A_684] : memref<104x128xi32, #tpu.memory_space<vmem>> -> memref<1x128xi32, #tpu.memory_space<vmem>>
      %dma_wait3A_686 = tpu.memref_squeeze %dma_wait3A_685 : memref<1x128xi32, #tpu.memory_space<vmem>> -> memref<128xi32, #tpu.memory_space<vmem>>
      %dma_wait3A_687 = arith.constant 0 : i32
      %dma_wait3A_688 = tpu.memref_slice %arg6[%dma_wait3A_687] : memref<2600000xf32, #tpu.memory_space<hbm>> -> memref<2600000xf32, #tpu.memory_space<hbm>>
      tpu.wait_indirect_dma semaphore(%arg16 : memref<!tpu.dma_semaphore, #tpu.memory_space<semaphore_mem>>) src(%dma_wait3A_688 : memref<2600000xf32, #tpu.memory_space<hbm>>) dst(%dma_wait3A_683 : memref<128xf32, #tpu.memory_space<vmem>>)
      %dma_wait3A_689 = arith.constant 1408 : i32
      %dma_wait3A_690 = tpu.memref_slice %arg13[%dma_wait3A_689] : memref<1664xf32, #tpu.memory_space<vmem>> -> memref<128xf32, #tpu.memory_space<vmem>>
      %dma_wait3A_691 = arith.constant 0 : i32
      %dma_wait3A_692 = tpu.memref_slice %arg11[%add3A_139, %dma_wait3A_691] : memref<104x128xi32, #tpu.memory_space<vmem>> -> memref<1x128xi32, #tpu.memory_space<vmem>>
      %dma_wait3A_693 = tpu.memref_squeeze %dma_wait3A_692 : memref<1x128xi32, #tpu.memory_space<vmem>> -> memref<128xi32, #tpu.memory_space<vmem>>
      %dma_wait3A_694 = arith.constant 0 : i32
      %dma_wait3A_695 = tpu.memref_slice %arg6[%dma_wait3A_694] : memref<2600000xf32, #tpu.memory_space<hbm>> -> memref<2600000xf32, #tpu.memory_space<hbm>>
      tpu.wait_indirect_dma semaphore(%arg16 : memref<!tpu.dma_semaphore, #tpu.memory_space<semaphore_mem>>) src(%dma_wait3A_695 : memref<2600000xf32, #tpu.memory_space<hbm>>) dst(%dma_wait3A_690 : memref<128xf32, #tpu.memory_space<vmem>>)
      %dma_wait3A_696 = arith.constant 1536 : i32
      %dma_wait3A_697 = tpu.memref_slice %arg13[%dma_wait3A_696] : memref<1664xf32, #tpu.memory_space<vmem>> -> memref<128xf32, #tpu.memory_space<vmem>>
      %dma_wait3A_698 = arith.constant 0 : i32
      %dma_wait3A_699 = tpu.memref_slice %arg11[%add3A_150, %dma_wait3A_698] : memref<104x128xi32, #tpu.memory_space<vmem>> -> memref<1x128xi32, #tpu.memory_space<vmem>>
      %dma_wait3A_700 = tpu.memref_squeeze %dma_wait3A_699 : memref<1x128xi32, #tpu.memory_space<vmem>> -> memref<128xi32, #tpu.memory_space<vmem>>
      %dma_wait3A_701 = arith.constant 0 : i32
      %dma_wait3A_702 = tpu.memref_slice %arg6[%dma_wait3A_701] : memref<2600000xf32, #tpu.memory_space<hbm>> -> memref<2600000xf32, #tpu.memory_space<hbm>>
      tpu.wait_indirect_dma semaphore(%arg16 : memref<!tpu.dma_semaphore, #tpu.memory_space<semaphore_mem>>) src(%dma_wait3A_702 : memref<2600000xf32, #tpu.memory_space<hbm>>) dst(%dma_wait3A_697 : memref<128xf32, #tpu.memory_space<vmem>>)
      %mul3A_703 = arith.constant 13312 : i32
      %mul3A_704 = arith.muli %add3A, %mul3A_703 : i32
      %mul3A_705 = arith.constant 1664 : i32
      %mul3A_706 = arith.muli %add3A_15, %mul3A_705 : i32
      %add3A_707 = arith.addi %mul3A_704, %mul3A_706 : i32
      "tpu.region"() ({
        %run_scoped3A = tpu.sem_alloc : memref<!tpu.dma_semaphore, #tpu.memory_space<semaphore_mem>>
        %dma_start3A_825 = tpu.memref_slice %arg8[%add3A_707] : memref<425984xf32, #tpu.memory_space<hbm>> -> memref<1664xf32, #tpu.memory_space<hbm>>
        %dma_start3A_826 = tpu.memref_slice %arg8[%add3A_707] : memref<425984xf32, #tpu.memory_space<hbm>> -> memref<1664xf32, #tpu.memory_space<hbm>>
        tpu.enqueue_dma source(%arg13 : memref<1664xf32, #tpu.memory_space<vmem>>) target(%dma_start3A_826 : memref<1664xf32, #tpu.memory_space<hbm>>) target_semaphore(%run_scoped3A : memref<!tpu.dma_semaphore, #tpu.memory_space<semaphore_mem>>)
        %dma_wait3A_827 = tpu.memref_slice %arg8[%add3A_707] : memref<425984xf32, #tpu.memory_space<hbm>> -> memref<1664xf32, #tpu.memory_space<hbm>>
        %dma_wait3A_828 = tpu.memref_slice %arg8[%add3A_707] : memref<425984xf32, #tpu.memory_space<hbm>> -> memref<1664xf32, #tpu.memory_space<hbm>>
        tpu.wait_dma2 semaphore(%run_scoped3A : memref<!tpu.dma_semaphore, #tpu.memory_space<semaphore_mem>>) src(%arg13 : memref<1664xf32, #tpu.memory_space<vmem>>) dst(%dma_wait3A_828 : memref<1664xf32, #tpu.memory_space<hbm>>)
        tpu.yield
      }) : () -> ()
      %dma_wait3A_708 = arith.constant 0 : i32
      %dma_wait3A_709 = arith.constant 0 : i32
      %dma_wait3A_710 = tpu.memref_slice %arg12[%dma_wait3A_708, %dma_wait3A_709] : memref<1664x16xf32, #tpu.memory_space<vmem>> -> memref<128x16xf32, #tpu.memory_space<vmem>>
      %dma_wait3A_711 = arith.constant 0 : i32
      %dma_wait3A_712 = tpu.memref_slice %arg10[%add3A_338, %dma_wait3A_711] : memref<104x128xi32, #tpu.memory_space<vmem>> -> memref<1x128xi32, #tpu.memory_space<vmem>>
      %dma_wait3A_713 = tpu.memref_squeeze %dma_wait3A_712 : memref<1x128xi32, #tpu.memory_space<vmem>> -> memref<128xi32, #tpu.memory_space<vmem>>
      %dma_wait3A_714 = arith.constant 0 : i32
      %dma_wait3A_715 = arith.constant 0 : i32
      %dma_wait3A_716 = tpu.memref_slice %arg7[%dma_wait3A_714, %dma_wait3A_715] : memref<524288x16xf32, #tpu.memory_space<hbm>> -> memref<524288x16xf32, #tpu.memory_space<hbm>>
      tpu.wait_indirect_dma semaphore(%arg15 : memref<!tpu.dma_semaphore, #tpu.memory_space<semaphore_mem>>) src(%dma_wait3A_710 : memref<128x16xf32, #tpu.memory_space<vmem>>) dst(%dma_wait3A_716 : memref<524288x16xf32, #tpu.memory_space<hbm>>)
      %dma_wait3A_717 = arith.constant 128 : i32
      %dma_wait3A_718 = arith.constant 0 : i32
      %dma_wait3A_719 = tpu.memref_slice %arg12[%dma_wait3A_717, %dma_wait3A_718] : memref<1664x16xf32, #tpu.memory_space<vmem>> -> memref<128x16xf32, #tpu.memory_space<vmem>>
      %dma_wait3A_720 = arith.constant 0 : i32
      %dma_wait3A_721 = tpu.memref_slice %arg10[%add3A_360, %dma_wait3A_720] : memref<104x128xi32, #tpu.memory_space<vmem>> -> memref<1x128xi32, #tpu.memory_space<vmem>>
      %dma_wait3A_722 = tpu.memref_squeeze %dma_wait3A_721 : memref<1x128xi32, #tpu.memory_space<vmem>> -> memref<128xi32, #tpu.memory_space<vmem>>
      %dma_wait3A_723 = arith.constant 0 : i32
      %dma_wait3A_724 = arith.constant 0 : i32
      %dma_wait3A_725 = tpu.memref_slice %arg7[%dma_wait3A_723, %dma_wait3A_724] : memref<524288x16xf32, #tpu.memory_space<hbm>> -> memref<524288x16xf32, #tpu.memory_space<hbm>>
      tpu.wait_indirect_dma semaphore(%arg15 : memref<!tpu.dma_semaphore, #tpu.memory_space<semaphore_mem>>) src(%dma_wait3A_719 : memref<128x16xf32, #tpu.memory_space<vmem>>) dst(%dma_wait3A_725 : memref<524288x16xf32, #tpu.memory_space<hbm>>)
      %dma_wait3A_726 = arith.constant 256 : i32
      %dma_wait3A_727 = arith.constant 0 : i32
      %dma_wait3A_728 = tpu.memref_slice %arg12[%dma_wait3A_726, %dma_wait3A_727] : memref<1664x16xf32, #tpu.memory_space<vmem>> -> memref<128x16xf32, #tpu.memory_space<vmem>>
      %dma_wait3A_729 = arith.constant 0 : i32
      %dma_wait3A_730 = tpu.memref_slice %arg10[%add3A_382, %dma_wait3A_729] : memref<104x128xi32, #tpu.memory_space<vmem>> -> memref<1x128xi32, #tpu.memory_space<vmem>>
      %dma_wait3A_731 = tpu.memref_squeeze %dma_wait3A_730 : memref<1x128xi32, #tpu.memory_space<vmem>> -> memref<128xi32, #tpu.memory_space<vmem>>
      %dma_wait3A_732 = arith.constant 0 : i32
      %dma_wait3A_733 = arith.constant 0 : i32
      %dma_wait3A_734 = tpu.memref_slice %arg7[%dma_wait3A_732, %dma_wait3A_733] : memref<524288x16xf32, #tpu.memory_space<hbm>> -> memref<524288x16xf32, #tpu.memory_space<hbm>>
      tpu.wait_indirect_dma semaphore(%arg15 : memref<!tpu.dma_semaphore, #tpu.memory_space<semaphore_mem>>) src(%dma_wait3A_728 : memref<128x16xf32, #tpu.memory_space<vmem>>) dst(%dma_wait3A_734 : memref<524288x16xf32, #tpu.memory_space<hbm>>)
      %dma_wait3A_735 = arith.constant 384 : i32
      %dma_wait3A_736 = arith.constant 0 : i32
      %dma_wait3A_737 = tpu.memref_slice %arg12[%dma_wait3A_735, %dma_wait3A_736] : memref<1664x16xf32, #tpu.memory_space<vmem>> -> memref<128x16xf32, #tpu.memory_space<vmem>>
      %dma_wait3A_738 = arith.constant 0 : i32
      %dma_wait3A_739 = tpu.memref_slice %arg10[%add3A_404, %dma_wait3A_738] : memref<104x128xi32, #tpu.memory_space<vmem>> -> memref<1x128xi32, #tpu.memory_space<vmem>>
      %dma_wait3A_740 = tpu.memref_squeeze %dma_wait3A_739 : memref<1x128xi32, #tpu.memory_space<vmem>> -> memref<128xi32, #tpu.memory_space<vmem>>
      %dma_wait3A_741 = arith.constant 0 : i32
      %dma_wait3A_742 = arith.constant 0 : i32
      %dma_wait3A_743 = tpu.memref_slice %arg7[%dma_wait3A_741, %dma_wait3A_742] : memref<524288x16xf32, #tpu.memory_space<hbm>> -> memref<524288x16xf32, #tpu.memory_space<hbm>>
      tpu.wait_indirect_dma semaphore(%arg15 : memref<!tpu.dma_semaphore, #tpu.memory_space<semaphore_mem>>) src(%dma_wait3A_737 : memref<128x16xf32, #tpu.memory_space<vmem>>) dst(%dma_wait3A_743 : memref<524288x16xf32, #tpu.memory_space<hbm>>)
      %dma_wait3A_744 = arith.constant 512 : i32
      %dma_wait3A_745 = arith.constant 0 : i32
      %dma_wait3A_746 = tpu.memref_slice %arg12[%dma_wait3A_744, %dma_wait3A_745] : memref<1664x16xf32, #tpu.memory_space<vmem>> -> memref<128x16xf32, #tpu.memory_space<vmem>>
      %dma_wait3A_747 = arith.constant 0 : i32
      %dma_wait3A_748 = tpu.memref_slice %arg10[%add3A_426, %dma_wait3A_747] : memref<104x128xi32, #tpu.memory_space<vmem>> -> memref<1x128xi32, #tpu.memory_space<vmem>>
      %dma_wait3A_749 = tpu.memref_squeeze %dma_wait3A_748 : memref<1x128xi32, #tpu.memory_space<vmem>> -> memref<128xi32, #tpu.memory_space<vmem>>
      %dma_wait3A_750 = arith.constant 0 : i32
      %dma_wait3A_751 = arith.constant 0 : i32
      %dma_wait3A_752 = tpu.memref_slice %arg7[%dma_wait3A_750, %dma_wait3A_751] : memref<524288x16xf32, #tpu.memory_space<hbm>> -> memref<524288x16xf32, #tpu.memory_space<hbm>>
      tpu.wait_indirect_dma semaphore(%arg15 : memref<!tpu.dma_semaphore, #tpu.memory_space<semaphore_mem>>) src(%dma_wait3A_746 : memref<128x16xf32, #tpu.memory_space<vmem>>) dst(%dma_wait3A_752 : memref<524288x16xf32, #tpu.memory_space<hbm>>)
      %dma_wait3A_753 = arith.constant 640 : i32
      %dma_wait3A_754 = arith.constant 0 : i32
      %dma_wait3A_755 = tpu.memref_slice %arg12[%dma_wait3A_753, %dma_wait3A_754] : memref<1664x16xf32, #tpu.memory_space<vmem>> -> memref<128x16xf32, #tpu.memory_space<vmem>>
      %dma_wait3A_756 = arith.constant 0 : i32
      %dma_wait3A_757 = tpu.memref_slice %arg10[%add3A_448, %dma_wait3A_756] : memref<104x128xi32, #tpu.memory_space<vmem>> -> memref<1x128xi32, #tpu.memory_space<vmem>>
      %dma_wait3A_758 = tpu.memref_squeeze %dma_wait3A_757 : memref<1x128xi32, #tpu.memory_space<vmem>> -> memref<128xi32, #tpu.memory_space<vmem>>
      %dma_wait3A_759 = arith.constant 0 : i32
      %dma_wait3A_760 = arith.constant 0 : i32
      %dma_wait3A_761 = tpu.memref_slice %arg7[%dma_wait3A_759, %dma_wait3A_760] : memref<524288x16xf32, #tpu.memory_space<hbm>> -> memref<524288x16xf32, #tpu.memory_space<hbm>>
      tpu.wait_indirect_dma semaphore(%arg15 : memref<!tpu.dma_semaphore, #tpu.memory_space<semaphore_mem>>) src(%dma_wait3A_755 : memref<128x16xf32, #tpu.memory_space<vmem>>) dst(%dma_wait3A_761 : memref<524288x16xf32, #tpu.memory_space<hbm>>)
      %dma_wait3A_762 = arith.constant 768 : i32
      %dma_wait3A_763 = arith.constant 0 : i32
      %dma_wait3A_764 = tpu.memref_slice %arg12[%dma_wait3A_762, %dma_wait3A_763] : memref<1664x16xf32, #tpu.memory_space<vmem>> -> memref<128x16xf32, #tpu.memory_space<vmem>>
      %dma_wait3A_765 = arith.constant 0 : i32
      %dma_wait3A_766 = tpu.memref_slice %arg10[%add3A_470, %dma_wait3A_765] : memref<104x128xi32, #tpu.memory_space<vmem>> -> memref<1x128xi32, #tpu.memory_space<vmem>>
      %dma_wait3A_767 = tpu.memref_squeeze %dma_wait3A_766 : memref<1x128xi32, #tpu.memory_space<vmem>> -> memref<128xi32, #tpu.memory_space<vmem>>
      %dma_wait3A_768 = arith.constant 0 : i32
      %dma_wait3A_769 = arith.constant 0 : i32
      %dma_wait3A_770 = tpu.memref_slice %arg7[%dma_wait3A_768, %dma_wait3A_769] : memref<524288x16xf32, #tpu.memory_space<hbm>> -> memref<524288x16xf32, #tpu.memory_space<hbm>>
      tpu.wait_indirect_dma semaphore(%arg15 : memref<!tpu.dma_semaphore, #tpu.memory_space<semaphore_mem>>) src(%dma_wait3A_764 : memref<128x16xf32, #tpu.memory_space<vmem>>) dst(%dma_wait3A_770 : memref<524288x16xf32, #tpu.memory_space<hbm>>)
      %dma_wait3A_771 = arith.constant 896 : i32
      %dma_wait3A_772 = arith.constant 0 : i32
      %dma_wait3A_773 = tpu.memref_slice %arg12[%dma_wait3A_771, %dma_wait3A_772] : memref<1664x16xf32, #tpu.memory_space<vmem>> -> memref<128x16xf32, #tpu.memory_space<vmem>>
      %dma_wait3A_774 = arith.constant 0 : i32
      %dma_wait3A_775 = tpu.memref_slice %arg10[%add3A_492, %dma_wait3A_774] : memref<104x128xi32, #tpu.memory_space<vmem>> -> memref<1x128xi32, #tpu.memory_space<vmem>>
      %dma_wait3A_776 = tpu.memref_squeeze %dma_wait3A_775 : memref<1x128xi32, #tpu.memory_space<vmem>> -> memref<128xi32, #tpu.memory_space<vmem>>
      %dma_wait3A_777 = arith.constant 0 : i32
      %dma_wait3A_778 = arith.constant 0 : i32
      %dma_wait3A_779 = tpu.memref_slice %arg7[%dma_wait3A_777, %dma_wait3A_778] : memref<524288x16xf32, #tpu.memory_space<hbm>> -> memref<524288x16xf32, #tpu.memory_space<hbm>>
      tpu.wait_indirect_dma semaphore(%arg15 : memref<!tpu.dma_semaphore, #tpu.memory_space<semaphore_mem>>) src(%dma_wait3A_773 : memref<128x16xf32, #tpu.memory_space<vmem>>) dst(%dma_wait3A_779 : memref<524288x16xf32, #tpu.memory_space<hbm>>)
      %dma_wait3A_780 = arith.constant 1024 : i32
      %dma_wait3A_781 = arith.constant 0 : i32
      %dma_wait3A_782 = tpu.memref_slice %arg12[%dma_wait3A_780, %dma_wait3A_781] : memref<1664x16xf32, #tpu.memory_space<vmem>> -> memref<128x16xf32, #tpu.memory_space<vmem>>
      %dma_wait3A_783 = arith.constant 0 : i32
      %dma_wait3A_784 = tpu.memref_slice %arg10[%add3A_514, %dma_wait3A_783] : memref<104x128xi32, #tpu.memory_space<vmem>> -> memref<1x128xi32, #tpu.memory_space<vmem>>
      %dma_wait3A_785 = tpu.memref_squeeze %dma_wait3A_784 : memref<1x128xi32, #tpu.memory_space<vmem>> -> memref<128xi32, #tpu.memory_space<vmem>>
      %dma_wait3A_786 = arith.constant 0 : i32
      %dma_wait3A_787 = arith.constant 0 : i32
      %dma_wait3A_788 = tpu.memref_slice %arg7[%dma_wait3A_786, %dma_wait3A_787] : memref<524288x16xf32, #tpu.memory_space<hbm>> -> memref<524288x16xf32, #tpu.memory_space<hbm>>
      tpu.wait_indirect_dma semaphore(%arg15 : memref<!tpu.dma_semaphore, #tpu.memory_space<semaphore_mem>>) src(%dma_wait3A_782 : memref<128x16xf32, #tpu.memory_space<vmem>>) dst(%dma_wait3A_788 : memref<524288x16xf32, #tpu.memory_space<hbm>>)
      %dma_wait3A_789 = arith.constant 1152 : i32
      %dma_wait3A_790 = arith.constant 0 : i32
      %dma_wait3A_791 = tpu.memref_slice %arg12[%dma_wait3A_789, %dma_wait3A_790] : memref<1664x16xf32, #tpu.memory_space<vmem>> -> memref<128x16xf32, #tpu.memory_space<vmem>>
      %dma_wait3A_792 = arith.constant 0 : i32
      %dma_wait3A_793 = tpu.memref_slice %arg10[%add3A_536, %dma_wait3A_792] : memref<104x128xi32, #tpu.memory_space<vmem>> -> memref<1x128xi32, #tpu.memory_space<vmem>>
      %dma_wait3A_794 = tpu.memref_squeeze %dma_wait3A_793 : memref<1x128xi32, #tpu.memory_space<vmem>> -> memref<128xi32, #tpu.memory_space<vmem>>
      %dma_wait3A_795 = arith.constant 0 : i32
      %dma_wait3A_796 = arith.constant 0 : i32
      %dma_wait3A_797 = tpu.memref_slice %arg7[%dma_wait3A_795, %dma_wait3A_796] : memref<524288x16xf32, #tpu.memory_space<hbm>> -> memref<524288x16xf32, #tpu.memory_space<hbm>>
      tpu.wait_indirect_dma semaphore(%arg15 : memref<!tpu.dma_semaphore, #tpu.memory_space<semaphore_mem>>) src(%dma_wait3A_791 : memref<128x16xf32, #tpu.memory_space<vmem>>) dst(%dma_wait3A_797 : memref<524288x16xf32, #tpu.memory_space<hbm>>)
      %dma_wait3A_798 = arith.constant 1280 : i32
      %dma_wait3A_799 = arith.constant 0 : i32
      %dma_wait3A_800 = tpu.memref_slice %arg12[%dma_wait3A_798, %dma_wait3A_799] : memref<1664x16xf32, #tpu.memory_space<vmem>> -> memref<128x16xf32, #tpu.memory_space<vmem>>
      %dma_wait3A_801 = arith.constant 0 : i32
      %dma_wait3A_802 = tpu.memref_slice %arg10[%add3A_558, %dma_wait3A_801] : memref<104x128xi32, #tpu.memory_space<vmem>> -> memref<1x128xi32, #tpu.memory_space<vmem>>
      %dma_wait3A_803 = tpu.memref_squeeze %dma_wait3A_802 : memref<1x128xi32, #tpu.memory_space<vmem>> -> memref<128xi32, #tpu.memory_space<vmem>>
      %dma_wait3A_804 = arith.constant 0 : i32
      %dma_wait3A_805 = arith.constant 0 : i32
      %dma_wait3A_806 = tpu.memref_slice %arg7[%dma_wait3A_804, %dma_wait3A_805] : memref<524288x16xf32, #tpu.memory_space<hbm>> -> memref<524288x16xf32, #tpu.memory_space<hbm>>
      tpu.wait_indirect_dma semaphore(%arg15 : memref<!tpu.dma_semaphore, #tpu.memory_space<semaphore_mem>>) src(%dma_wait3A_800 : memref<128x16xf32, #tpu.memory_space<vmem>>) dst(%dma_wait3A_806 : memref<524288x16xf32, #tpu.memory_space<hbm>>)
      %dma_wait3A_807 = arith.constant 1408 : i32
      %dma_wait3A_808 = arith.constant 0 : i32
      %dma_wait3A_809 = tpu.memref_slice %arg12[%dma_wait3A_807, %dma_wait3A_808] : memref<1664x16xf32, #tpu.memory_space<vmem>> -> memref<128x16xf32, #tpu.memory_space<vmem>>
      %dma_wait3A_810 = arith.constant 0 : i32
      %dma_wait3A_811 = tpu.memref_slice %arg10[%add3A_580, %dma_wait3A_810] : memref<104x128xi32, #tpu.memory_space<vmem>> -> memref<1x128xi32, #tpu.memory_space<vmem>>
      %dma_wait3A_812 = tpu.memref_squeeze %dma_wait3A_811 : memref<1x128xi32, #tpu.memory_space<vmem>> -> memref<128xi32, #tpu.memory_space<vmem>>
      %dma_wait3A_813 = arith.constant 0 : i32
      %dma_wait3A_814 = arith.constant 0 : i32
      %dma_wait3A_815 = tpu.memref_slice %arg7[%dma_wait3A_813, %dma_wait3A_814] : memref<524288x16xf32, #tpu.memory_space<hbm>> -> memref<524288x16xf32, #tpu.memory_space<hbm>>
      tpu.wait_indirect_dma semaphore(%arg15 : memref<!tpu.dma_semaphore, #tpu.memory_space<semaphore_mem>>) src(%dma_wait3A_809 : memref<128x16xf32, #tpu.memory_space<vmem>>) dst(%dma_wait3A_815 : memref<524288x16xf32, #tpu.memory_space<hbm>>)
      %dma_wait3A_816 = arith.constant 1536 : i32
      %dma_wait3A_817 = arith.constant 0 : i32
      %dma_wait3A_818 = tpu.memref_slice %arg12[%dma_wait3A_816, %dma_wait3A_817] : memref<1664x16xf32, #tpu.memory_space<vmem>> -> memref<128x16xf32, #tpu.memory_space<vmem>>
      %dma_wait3A_819 = arith.constant 0 : i32
      %dma_wait3A_820 = tpu.memref_slice %arg10[%add3A_602, %dma_wait3A_819] : memref<104x128xi32, #tpu.memory_space<vmem>> -> memref<1x128xi32, #tpu.memory_space<vmem>>
      %dma_wait3A_821 = tpu.memref_squeeze %dma_wait3A_820 : memref<1x128xi32, #tpu.memory_space<vmem>> -> memref<128xi32, #tpu.memory_space<vmem>>
      %dma_wait3A_822 = arith.constant 0 : i32
      %dma_wait3A_823 = arith.constant 0 : i32
      %dma_wait3A_824 = tpu.memref_slice %arg7[%dma_wait3A_822, %dma_wait3A_823] : memref<524288x16xf32, #tpu.memory_space<hbm>> -> memref<524288x16xf32, #tpu.memory_space<hbm>>
      tpu.wait_indirect_dma semaphore(%arg15 : memref<!tpu.dma_semaphore, #tpu.memory_space<semaphore_mem>>) src(%dma_wait3A_818 : memref<128x16xf32, #tpu.memory_space<vmem>>) dst(%dma_wait3A_824 : memref<524288x16xf32, #tpu.memory_space<hbm>>)
    }
    %scan3A_10 = arith.constant 8 : i32
    return
  }
}

module attributes {stable_mosaic.version = 14 : i64} {
  func.func @_tc_body(%arg0: i32, %arg1: memref<2048x128xf32, #tpu.memory_space<vmem>>, %arg2: memref<2048x128xf32, #tpu.memory_space<vmem>>, %arg3: memref<2048x128xf32, #tpu.memory_space<vmem>>, %arg4: memref<2048x128xf32, #tpu.memory_space<vmem>>, %arg5: memref<16x128xf32, #tpu.memory_space<vmem>>, %arg6: memref<16x128xf32, #tpu.memory_space<vmem>>, %arg7: memref<16x128xf32, #tpu.memory_space<vmem>>, %arg8: memref<16x128xf32, #tpu.memory_space<vmem>>, %arg9: memref<16x128xf32, #tpu.memory_space<vmem>>, %arg10: memref<16x128xf32, #tpu.memory_space<vmem>>, %arg11: memref<16x128xf32, #tpu.memory_space<vmem>>, %arg12: memref<16x128xf32, #tpu.memory_space<vmem>>, %arg13: memref<16x128xf32, #tpu.memory_space<vmem>>, %arg14: memref<16x128xf32, #tpu.memory_space<vmem>>, %arg15: memref<16x128xf32, #tpu.memory_space<vmem>>, %arg16: memref<16x128xf32, #tpu.memory_space<vmem>>, %arg17: memref<16x128xf32, #tpu.memory_space<vmem>>, %arg18: memref<16x128xf32, #tpu.memory_space<vmem>>, %arg19: memref<16x128xf32, #tpu.memory_space<vmem>>, %arg20: memref<16x128xf32, #tpu.memory_space<vmem>>, %arg21: memref<16x128xf32, #tpu.memory_space<vmem>>, %arg22: memref<16x128xf32, #tpu.memory_space<vmem>>, %arg23: memref<16x128xf32, #tpu.memory_space<vmem>>, %arg24: memref<16x128xf32, #tpu.memory_space<vmem>>, %arg25: memref<16x128xf32, #tpu.memory_space<vmem>>, %arg26: memref<16x128xf32, #tpu.memory_space<vmem>>, %arg27: memref<16x128xf32, #tpu.memory_space<vmem>>, %arg28: memref<16x128xf32, #tpu.memory_space<vmem>>, %arg29: memref<16x128xf32, #tpu.memory_space<vmem>>, %arg30: memref<16x128xf32, #tpu.memory_space<vmem>>, %arg31: memref<1x128xf32, #tpu.memory_space<vmem>>, %arg32: memref<512x16xf32, #tpu.memory_space<vmem>>, %arg33: memref<512x16xf32, #tpu.memory_space<vmem>>, %arg34: memref<1x16xf32, #tpu.memory_space<vmem>>, %arg35: memref<16x32xf32, #tpu.memory_space<vmem>>, %arg36: memref<1x32xf32, #tpu.memory_space<vmem>>, %arg37: memref<32x1xf32, #tpu.memory_space<vmem>>, %arg38: memref<1x1xf32, #tpu.memory_space<vmem>>, %arg39: memref<2048x1xf32, #tpu.memory_space<vmem>>, %arg40: memref<16x128xf32, #tpu.memory_space<vmem>>) attributes {dimension_semantics = [#tpu.dimension_semantics<arbitrary>], iteration_bounds = array<i64: 8>, scalar_prefetch = 0 : i64, scratch_operands = 0 : i64, tpu.core_type = #tpu.core_type<tc>, window_params = [{transform_indices = @transform_0, window_bounds = array<i64: 2048, 128>}, {transform_indices = @transform_1, window_bounds = array<i64: 2048, 128>}, {transform_indices = @transform_2, window_bounds = array<i64: 2048, 128>}, {transform_indices = @transform_3, window_bounds = array<i64: 2048, 128>}, {transform_indices = @transform_4, window_bounds = array<i64: 16, 128>}, {transform_indices = @transform_5, window_bounds = array<i64: 16, 128>}, {transform_indices = @transform_6, window_bounds = array<i64: 16, 128>}, {transform_indices = @transform_7, window_bounds = array<i64: 16, 128>}, {transform_indices = @transform_8, window_bounds = array<i64: 16, 128>}, {transform_indices = @transform_9, window_bounds = array<i64: 16, 128>}, {transform_indices = @transform_10, window_bounds = array<i64: 16, 128>}, {transform_indices = @transform_11, window_bounds = array<i64: 16, 128>}, {transform_indices = @transform_12, window_bounds = array<i64: 16, 128>}, {transform_indices = @transform_13, window_bounds = array<i64: 16, 128>}, {transform_indices = @transform_14, window_bounds = array<i64: 16, 128>}, {transform_indices = @transform_15, window_bounds = array<i64: 16, 128>}, {transform_indices = @transform_16, window_bounds = array<i64: 16, 128>}, {transform_indices = @transform_17, window_bounds = array<i64: 16, 128>}, {transform_indices = @transform_18, window_bounds = array<i64: 16, 128>}, {transform_indices = @transform_19, window_bounds = array<i64: 16, 128>}, {transform_indices = @transform_20, window_bounds = array<i64: 16, 128>}, {transform_indices = @transform_21, window_bounds = array<i64: 16, 128>}, {transform_indices = @transform_22, window_bounds = array<i64: 16, 128>}, {transform_indices = @transform_23, window_bounds = array<i64: 16, 128>}, {transform_indices = @transform_24, window_bounds = array<i64: 16, 128>}, {transform_indices = @transform_25, window_bounds = array<i64: 16, 128>}, {transform_indices = @transform_26, window_bounds = array<i64: 16, 128>}, {transform_indices = @transform_27, window_bounds = array<i64: 16, 128>}, {transform_indices = @transform_28, window_bounds = array<i64: 16, 128>}, {transform_indices = @transform_29, window_bounds = array<i64: 16, 128>}, {pipeline_mode = #tpu.pipeline_mode<synchronous>, transform_indices = @transform_30, window_bounds = array<i64: 1, 128>}, {pipeline_mode = #tpu.pipeline_mode<synchronous>, transform_indices = @transform_31, window_bounds = array<i64: 512, 16>}, {pipeline_mode = #tpu.pipeline_mode<synchronous>, transform_indices = @transform_32, window_bounds = array<i64: 512, 16>}, {pipeline_mode = #tpu.pipeline_mode<synchronous>, transform_indices = @transform_33, window_bounds = array<i64: 1, 16>}, {pipeline_mode = #tpu.pipeline_mode<synchronous>, transform_indices = @transform_34, window_bounds = array<i64: 16, 32>}, {pipeline_mode = #tpu.pipeline_mode<synchronous>, transform_indices = @transform_35, window_bounds = array<i64: 1, 32>}, {pipeline_mode = #tpu.pipeline_mode<synchronous>, transform_indices = @transform_36, window_bounds = array<i64: 32, 1>}, {pipeline_mode = #tpu.pipeline_mode<synchronous>, transform_indices = @transform_37, window_bounds = array<i64: 1, 1>}, {transform_indices = @transform_38, window_bounds = array<i64: 2048, 1>}, {transform_indices = @transform_39, window_bounds = array<i64: 16, 128>}]} {
    %get3A = arith.constant 0 : index
    %get3A_0 = arith.constant 0 : index
    %get3A_1 = vector.load %arg5[%get3A, %get3A_0] : memref<16x128xf32, #tpu.memory_space<vmem>>, vector<16x128xf32>
    %get3A_2 = arith.constant 0 : index
    %get3A_3 = arith.constant 0 : index
    %get3A_4 = vector.load %arg6[%get3A_2, %get3A_3] : memref<16x128xf32, #tpu.memory_space<vmem>>, vector<16x128xf32>
    %add3A = arith.addf %get3A_1, %get3A_4 : vector<16x128xf32>
    %get3A_5 = arith.constant 0 : index
    %get3A_6 = arith.constant 0 : index
    %get3A_7 = vector.load %arg7[%get3A_5, %get3A_6] : memref<16x128xf32, #tpu.memory_space<vmem>>, vector<16x128xf32>
    %add3A_8 = arith.addf %add3A, %get3A_7 : vector<16x128xf32>
    %get3A_9 = arith.constant 0 : index
    %get3A_10 = arith.constant 0 : index
    %get3A_11 = vector.load %arg8[%get3A_9, %get3A_10] : memref<16x128xf32, #tpu.memory_space<vmem>>, vector<16x128xf32>
    %add3A_12 = arith.addf %add3A_8, %get3A_11 : vector<16x128xf32>
    %get3A_13 = arith.constant 0 : index
    %get3A_14 = arith.constant 0 : index
    %get3A_15 = vector.load %arg9[%get3A_13, %get3A_14] : memref<16x128xf32, #tpu.memory_space<vmem>>, vector<16x128xf32>
    %add3A_16 = arith.addf %add3A_12, %get3A_15 : vector<16x128xf32>
    %get3A_17 = arith.constant 0 : index
    %get3A_18 = arith.constant 0 : index
    %get3A_19 = vector.load %arg10[%get3A_17, %get3A_18] : memref<16x128xf32, #tpu.memory_space<vmem>>, vector<16x128xf32>
    %add3A_20 = arith.addf %add3A_16, %get3A_19 : vector<16x128xf32>
    %get3A_21 = arith.constant 0 : index
    %get3A_22 = arith.constant 0 : index
    %get3A_23 = vector.load %arg11[%get3A_21, %get3A_22] : memref<16x128xf32, #tpu.memory_space<vmem>>, vector<16x128xf32>
    %add3A_24 = arith.addf %add3A_20, %get3A_23 : vector<16x128xf32>
    %get3A_25 = arith.constant 0 : index
    %get3A_26 = arith.constant 0 : index
    %get3A_27 = vector.load %arg12[%get3A_25, %get3A_26] : memref<16x128xf32, #tpu.memory_space<vmem>>, vector<16x128xf32>
    %add3A_28 = arith.addf %add3A_24, %get3A_27 : vector<16x128xf32>
    %get3A_29 = arith.constant 0 : index
    %get3A_30 = arith.constant 0 : index
    %get3A_31 = vector.load %arg13[%get3A_29, %get3A_30] : memref<16x128xf32, #tpu.memory_space<vmem>>, vector<16x128xf32>
    %add3A_32 = arith.addf %add3A_28, %get3A_31 : vector<16x128xf32>
    %get3A_33 = arith.constant 0 : index
    %get3A_34 = arith.constant 0 : index
    %get3A_35 = vector.load %arg14[%get3A_33, %get3A_34] : memref<16x128xf32, #tpu.memory_space<vmem>>, vector<16x128xf32>
    %add3A_36 = arith.addf %add3A_32, %get3A_35 : vector<16x128xf32>
    %get3A_37 = arith.constant 0 : index
    %get3A_38 = arith.constant 0 : index
    %get3A_39 = vector.load %arg15[%get3A_37, %get3A_38] : memref<16x128xf32, #tpu.memory_space<vmem>>, vector<16x128xf32>
    %add3A_40 = arith.addf %add3A_36, %get3A_39 : vector<16x128xf32>
    %get3A_41 = arith.constant 0 : index
    %get3A_42 = arith.constant 0 : index
    %get3A_43 = vector.load %arg16[%get3A_41, %get3A_42] : memref<16x128xf32, #tpu.memory_space<vmem>>, vector<16x128xf32>
    %add3A_44 = arith.addf %add3A_40, %get3A_43 : vector<16x128xf32>
    %get3A_45 = arith.constant 0 : index
    %get3A_46 = arith.constant 0 : index
    %get3A_47 = vector.load %arg17[%get3A_45, %get3A_46] : memref<16x128xf32, #tpu.memory_space<vmem>>, vector<16x128xf32>
    %add3A_48 = arith.addf %add3A_44, %get3A_47 : vector<16x128xf32>
    %get3A_49 = arith.constant 0 : index
    %get3A_50 = arith.constant 0 : index
    %get3A_51 = vector.load %arg18[%get3A_49, %get3A_50] : memref<16x128xf32, #tpu.memory_space<vmem>>, vector<16x128xf32>
    %add3A_52 = arith.addf %add3A_48, %get3A_51 : vector<16x128xf32>
    %get3A_53 = arith.constant 0 : index
    %get3A_54 = arith.constant 0 : index
    %get3A_55 = vector.load %arg19[%get3A_53, %get3A_54] : memref<16x128xf32, #tpu.memory_space<vmem>>, vector<16x128xf32>
    %add3A_56 = arith.addf %add3A_52, %get3A_55 : vector<16x128xf32>
    %get3A_57 = arith.constant 0 : index
    %get3A_58 = arith.constant 0 : index
    %get3A_59 = vector.load %arg20[%get3A_57, %get3A_58] : memref<16x128xf32, #tpu.memory_space<vmem>>, vector<16x128xf32>
    %add3A_60 = arith.addf %add3A_56, %get3A_59 : vector<16x128xf32>
    %get3A_61 = arith.constant 0 : index
    %get3A_62 = arith.constant 0 : index
    %get3A_63 = vector.load %arg21[%get3A_61, %get3A_62] : memref<16x128xf32, #tpu.memory_space<vmem>>, vector<16x128xf32>
    %add3A_64 = arith.addf %add3A_60, %get3A_63 : vector<16x128xf32>
    %get3A_65 = arith.constant 0 : index
    %get3A_66 = arith.constant 0 : index
    %get3A_67 = vector.load %arg22[%get3A_65, %get3A_66] : memref<16x128xf32, #tpu.memory_space<vmem>>, vector<16x128xf32>
    %add3A_68 = arith.addf %add3A_64, %get3A_67 : vector<16x128xf32>
    %get3A_69 = arith.constant 0 : index
    %get3A_70 = arith.constant 0 : index
    %get3A_71 = vector.load %arg23[%get3A_69, %get3A_70] : memref<16x128xf32, #tpu.memory_space<vmem>>, vector<16x128xf32>
    %add3A_72 = arith.addf %add3A_68, %get3A_71 : vector<16x128xf32>
    %get3A_73 = arith.constant 0 : index
    %get3A_74 = arith.constant 0 : index
    %get3A_75 = vector.load %arg24[%get3A_73, %get3A_74] : memref<16x128xf32, #tpu.memory_space<vmem>>, vector<16x128xf32>
    %add3A_76 = arith.addf %add3A_72, %get3A_75 : vector<16x128xf32>
    %get3A_77 = arith.constant 0 : index
    %get3A_78 = arith.constant 0 : index
    %get3A_79 = vector.load %arg25[%get3A_77, %get3A_78] : memref<16x128xf32, #tpu.memory_space<vmem>>, vector<16x128xf32>
    %add3A_80 = arith.addf %add3A_76, %get3A_79 : vector<16x128xf32>
    %get3A_81 = arith.constant 0 : index
    %get3A_82 = arith.constant 0 : index
    %get3A_83 = vector.load %arg26[%get3A_81, %get3A_82] : memref<16x128xf32, #tpu.memory_space<vmem>>, vector<16x128xf32>
    %add3A_84 = arith.addf %add3A_80, %get3A_83 : vector<16x128xf32>
    %get3A_85 = arith.constant 0 : index
    %get3A_86 = arith.constant 0 : index
    %get3A_87 = vector.load %arg27[%get3A_85, %get3A_86] : memref<16x128xf32, #tpu.memory_space<vmem>>, vector<16x128xf32>
    %add3A_88 = arith.addf %add3A_84, %get3A_87 : vector<16x128xf32>
    %get3A_89 = arith.constant 0 : index
    %get3A_90 = arith.constant 0 : index
    %get3A_91 = vector.load %arg28[%get3A_89, %get3A_90] : memref<16x128xf32, #tpu.memory_space<vmem>>, vector<16x128xf32>
    %add3A_92 = arith.addf %add3A_88, %get3A_91 : vector<16x128xf32>
    %get3A_93 = arith.constant 0 : index
    %get3A_94 = arith.constant 0 : index
    %get3A_95 = vector.load %arg29[%get3A_93, %get3A_94] : memref<16x128xf32, #tpu.memory_space<vmem>>, vector<16x128xf32>
    %add3A_96 = arith.addf %add3A_92, %get3A_95 : vector<16x128xf32>
    %get3A_97 = arith.constant 0 : index
    %get3A_98 = arith.constant 0 : index
    %get3A_99 = vector.load %arg30[%get3A_97, %get3A_98] : memref<16x128xf32, #tpu.memory_space<vmem>>, vector<16x128xf32>
    %add3A_100 = arith.addf %add3A_96, %get3A_99 : vector<16x128xf32>
    %swap3A = arith.constant 0 : index
    %swap3A_101 = arith.constant 0 : index
    %swap3A_102 = vector.load %arg40[%swap3A, %swap3A_101] : memref<16x128xf32, #tpu.memory_space<vmem>>, vector<16x128xf32>
    tpu.vector_store %arg40[%swap3A, %swap3A_101], %add3A_100 {strides = array<i32>} : memref<16x128xf32, #tpu.memory_space<vmem>>, vector<16x128xf32>,
    %get3A_103 = arith.constant 0 : index
    %get3A_104 = arith.constant 0 : index
    %get3A_105 = vector.load %arg1[%get3A_103, %get3A_104] : memref<2048x128xf32, #tpu.memory_space<vmem>>, vector<2048x128xf32>
    %get3A_106 = arith.constant 0 : index
    %get3A_107 = arith.constant 0 : index
    %get3A_108 = vector.load %arg2[%get3A_106, %get3A_107] : memref<2048x128xf32, #tpu.memory_space<vmem>>, vector<2048x128xf32>
    %get3A_109 = arith.constant 0 : index
    %get3A_110 = arith.constant 0 : index
    %get3A_111 = vector.load %arg3[%get3A_109, %get3A_110] : memref<2048x128xf32, #tpu.memory_space<vmem>>, vector<2048x128xf32>
    %get3A_112 = arith.constant 0 : index
    %get3A_113 = arith.constant 0 : index
    %get3A_114 = vector.load %arg4[%get3A_112, %get3A_113] : memref<2048x128xf32, #tpu.memory_space<vmem>>, vector<2048x128xf32>
    %get3A_115 = arith.constant 0 : index
    %get3A_116 = arith.constant 0 : index
    %get3A_117 = vector.load %arg31[%get3A_115, %get3A_116] : memref<1x128xf32, #tpu.memory_space<vmem>>, vector<1x128xf32>
    %mul3A = vector.broadcast %get3A_117 : vector<1x128xf32> to vector<2048x128xf32>
    %mul3A_118 = arith.mulf %get3A_114, %mul3A : vector<2048x128xf32>
    %get3A_119 = arith.constant 0 : index
    %get3A_120 = arith.constant 0 : index
    %get3A_121 = vector.load %arg32[%get3A_119, %get3A_120] : memref<512x16xf32, #tpu.memory_space<vmem>>, vector<512x16xf32>
    %get3A_122 = arith.constant 0 : index
    %get3A_123 = arith.constant 0 : index
    %get3A_124 = vector.load %arg33[%get3A_122, %get3A_123] : memref<512x16xf32, #tpu.memory_space<vmem>>, vector<512x16xf32>
    %slice3A = vector.extract_strided_slice %get3A_121 {offsets = [0, 0], sizes = [128, 16], strides = [1, 1]} : vector<512x16xf32> to vector<128x16xf32>
    %dot_general3A = arith.constant dense<0.000000e+00> : vector<2048x16xf32>
    %dot_general3A_125 = tpu.matmul %get3A_105, %slice3A, %dot_general3A {dimension_numbers = #tpu.dot_dimension_numbers<[1], [0], [0], [1], [0, 0, 1, 1], [], []>, transpose_lhs_hint = false} : vector<2048x128xf32>, vector<128x16xf32>, vector<2048x16xf32> -> vector<2048x16xf32>
    %slice3A_126 = vector.extract_strided_slice %get3A_121 {offsets = [128, 0], sizes = [128, 16], strides = [1, 1]} : vector<512x16xf32> to vector<128x16xf32>
    %dot_general3A_127 = arith.constant dense<0.000000e+00> : vector<2048x16xf32>
    %dot_general3A_128 = tpu.matmul %get3A_108, %slice3A_126, %dot_general3A_127 {dimension_numbers = #tpu.dot_dimension_numbers<[1], [0], [0], [1], [0, 0, 1, 1], [], []>, transpose_lhs_hint = false} : vector<2048x128xf32>, vector<128x16xf32>, vector<2048x16xf32> -> vector<2048x16xf32>
    %add3A_129 = arith.addf %dot_general3A_125, %dot_general3A_128 : vector<2048x16xf32>
    %slice3A_130 = vector.extract_strided_slice %get3A_121 {offsets = [256, 0], sizes = [128, 16], strides = [1, 1]} : vector<512x16xf32> to vector<128x16xf32>
    %dot_general3A_131 = arith.constant dense<0.000000e+00> : vector<2048x16xf32>
    %dot_general3A_132 = tpu.matmul %get3A_111, %slice3A_130, %dot_general3A_131 {dimension_numbers = #tpu.dot_dimension_numbers<[1], [0], [0], [1], [0, 0, 1, 1], [], []>, transpose_lhs_hint = false} : vector<2048x128xf32>, vector<128x16xf32>, vector<2048x16xf32> -> vector<2048x16xf32>
    %add3A_133 = arith.addf %add3A_129, %dot_general3A_132 : vector<2048x16xf32>
    %slice3A_134 = vector.extract_strided_slice %get3A_121 {offsets = [384, 0], sizes = [128, 16], strides = [1, 1]} : vector<512x16xf32> to vector<128x16xf32>
    %dot_general3A_135 = arith.constant dense<0.000000e+00> : vector<2048x16xf32>
    %dot_general3A_136 = tpu.matmul %mul3A_118, %slice3A_134, %dot_general3A_135 {dimension_numbers = #tpu.dot_dimension_numbers<[1], [0], [0], [1], [0, 0, 1, 1], [], []>, transpose_lhs_hint = false} : vector<2048x128xf32>, vector<128x16xf32>, vector<2048x16xf32> -> vector<2048x16xf32>
    %add3A_137 = arith.addf %add3A_133, %dot_general3A_136 : vector<2048x16xf32>
    %mul3A_138 = arith.mulf %get3A_105, %get3A_105 : vector<2048x128xf32>
    %reduce_sum3A = arith.constant dense<0.000000e+00> : vector<2048xf32>
    %reduce_sum3A_139 = vector.multi_reduction <add>, %mul3A_138, %reduce_sum3A [1] : vector<2048x128xf32> to vector<2048xf32>
    %broadcast_in_dim3A = vector.shape_cast %reduce_sum3A_139 : vector<2048xf32> to vector<2048x1xf32>
    %mul3A_140 = arith.mulf %get3A_108, %get3A_108 : vector<2048x128xf32>
    %reduce_sum3A_141 = arith.constant dense<0.000000e+00> : vector<2048xf32>
    %reduce_sum3A_142 = vector.multi_reduction <add>, %mul3A_140, %reduce_sum3A_141 [1] : vector<2048x128xf32> to vector<2048xf32>
    %broadcast_in_dim3A_143 = vector.shape_cast %reduce_sum3A_142 : vector<2048xf32> to vector<2048x1xf32>
    %add3A_144 = arith.addf %broadcast_in_dim3A, %broadcast_in_dim3A_143 : vector<2048x1xf32>
    %mul3A_145 = arith.mulf %get3A_111, %get3A_111 : vector<2048x128xf32>
    %reduce_sum3A_146 = arith.constant dense<0.000000e+00> : vector<2048xf32>
    %reduce_sum3A_147 = vector.multi_reduction <add>, %mul3A_145, %reduce_sum3A_146 [1] : vector<2048x128xf32> to vector<2048xf32>
    %broadcast_in_dim3A_148 = vector.shape_cast %reduce_sum3A_147 : vector<2048xf32> to vector<2048x1xf32>
    %add3A_149 = arith.addf %add3A_144, %broadcast_in_dim3A_148 : vector<2048x1xf32>
    %mul3A_150 = arith.mulf %mul3A_118, %mul3A_118 : vector<2048x128xf32>
    %reduce_sum3A_151 = arith.constant dense<0.000000e+00> : vector<2048xf32>
    %reduce_sum3A_152 = vector.multi_reduction <add>, %mul3A_150, %reduce_sum3A_151 [1] : vector<2048x128xf32> to vector<2048xf32>
    %broadcast_in_dim3A_153 = vector.shape_cast %reduce_sum3A_152 : vector<2048xf32> to vector<2048x1xf32>
    %add3A_154 = arith.addf %add3A_149, %broadcast_in_dim3A_153 : vector<2048x1xf32>
    %mul3A_155 = arith.mulf %add3A_137, %add3A_137 : vector<2048x16xf32>
    %reduce_sum3A_156 = arith.constant dense<0.000000e+00> : vector<2048xf32>
    %reduce_sum3A_157 = vector.multi_reduction <add>, %mul3A_155, %reduce_sum3A_156 [1] : vector<2048x16xf32> to vector<2048xf32>
    %broadcast_in_dim3A_158 = vector.shape_cast %reduce_sum3A_157 : vector<2048xf32> to vector<2048x1xf32>
    %sub3A = arith.subf %broadcast_in_dim3A_158, %add3A_154 : vector<2048x1xf32>
    %mul3A_159 = arith.constant 5.000000e-01 : f32
    %mul3A_160 = vector.broadcast %mul3A_159 : f32 to vector<2048x1xf32>
    %mul3A_161 = arith.mulf %mul3A_160, %sub3A : vector<2048x1xf32>
    %slice3A_162 = vector.extract_strided_slice %get3A_124 {offsets = [0, 0], sizes = [128, 16], strides = [1, 1]} : vector<512x16xf32> to vector<128x16xf32>
    %dot_general3A_163 = arith.constant dense<0.000000e+00> : vector<2048x16xf32>
    %dot_general3A_164 = tpu.matmul %get3A_105, %slice3A_162, %dot_general3A_163 {dimension_numbers = #tpu.dot_dimension_numbers<[1], [0], [0], [1], [0, 0, 1, 1], [], []>, transpose_lhs_hint = false} : vector<2048x128xf32>, vector<128x16xf32>, vector<2048x16xf32> -> vector<2048x16xf32>
    %slice3A_165 = vector.extract_strided_slice %get3A_124 {offsets = [128, 0], sizes = [128, 16], strides = [1, 1]} : vector<512x16xf32> to vector<128x16xf32>
    %dot_general3A_166 = arith.constant dense<0.000000e+00> : vector<2048x16xf32>
    %dot_general3A_167 = tpu.matmul %get3A_108, %slice3A_165, %dot_general3A_166 {dimension_numbers = #tpu.dot_dimension_numbers<[1], [0], [0], [1], [0, 0, 1, 1], [], []>, transpose_lhs_hint = false} : vector<2048x128xf32>, vector<128x16xf32>, vector<2048x16xf32> -> vector<2048x16xf32>
    %add3A_168 = arith.addf %dot_general3A_164, %dot_general3A_167 : vector<2048x16xf32>
    %slice3A_169 = vector.extract_strided_slice %get3A_124 {offsets = [256, 0], sizes = [128, 16], strides = [1, 1]} : vector<512x16xf32> to vector<128x16xf32>
    %dot_general3A_170 = arith.constant dense<0.000000e+00> : vector<2048x16xf32>
    %dot_general3A_171 = tpu.matmul %get3A_111, %slice3A_169, %dot_general3A_170 {dimension_numbers = #tpu.dot_dimension_numbers<[1], [0], [0], [1], [0, 0, 1, 1], [], []>, transpose_lhs_hint = false} : vector<2048x128xf32>, vector<128x16xf32>, vector<2048x16xf32> -> vector<2048x16xf32>
    %add3A_172 = arith.addf %add3A_168, %dot_general3A_171 : vector<2048x16xf32>
    %slice3A_173 = vector.extract_strided_slice %get3A_124 {offsets = [384, 0], sizes = [128, 16], strides = [1, 1]} : vector<512x16xf32> to vector<128x16xf32>
    %dot_general3A_174 = arith.constant dense<0.000000e+00> : vector<2048x16xf32>
    %dot_general3A_175 = tpu.matmul %mul3A_118, %slice3A_173, %dot_general3A_174 {dimension_numbers = #tpu.dot_dimension_numbers<[1], [0], [0], [1], [0, 0, 1, 1], [], []>, transpose_lhs_hint = false} : vector<2048x128xf32>, vector<128x16xf32>, vector<2048x16xf32> -> vector<2048x16xf32>
    %add3A_176 = arith.addf %add3A_172, %dot_general3A_175 : vector<2048x16xf32>
    %get3A_177 = arith.constant 0 : index
    %get3A_178 = arith.constant 0 : index
    %get3A_179 = vector.load %arg34[%get3A_177, %get3A_178] : memref<1x16xf32, #tpu.memory_space<vmem>>, vector<1x16xf32>
    %add3A_180 = vector.broadcast %get3A_179 : vector<1x16xf32> to vector<2048x16xf32>
    %add3A_181 = arith.addf %add3A_176, %add3A_180 : vector<2048x16xf32>
    %max3A = arith.constant 0.000000e+00 : f32
    %max3A_182 = vector.broadcast %max3A : f32 to vector<2048x16xf32>
    %max3A_183 = arith.maximumf %add3A_181, %max3A_182 : vector<2048x16xf32>
    %get3A_184 = arith.constant 0 : index
    %get3A_185 = arith.constant 0 : index
    %get3A_186 = vector.load %arg35[%get3A_184, %get3A_185] : memref<16x32xf32, #tpu.memory_space<vmem>>, vector<16x32xf32>
    %dot_general3A_187 = arith.constant dense<0.000000e+00> : vector<2048x32xf32>
    %dot_general3A_188 = tpu.matmul %max3A_183, %get3A_186, %dot_general3A_187 {dimension_numbers = #tpu.dot_dimension_numbers<[1], [0], [0], [1], [0, 0, 1, 1], [], []>, transpose_lhs_hint = false} : vector<2048x16xf32>, vector<16x32xf32>, vector<2048x32xf32> -> vector<2048x32xf32>
    %get3A_189 = arith.constant 0 : index
    %get3A_190 = arith.constant 0 : index
    %get3A_191 = vector.load %arg36[%get3A_189, %get3A_190] : memref<1x32xf32, #tpu.memory_space<vmem>>, vector<1x32xf32>
    %add3A_192 = vector.broadcast %get3A_191 : vector<1x32xf32> to vector<2048x32xf32>
    %add3A_193 = arith.addf %dot_general3A_188, %add3A_192 : vector<2048x32xf32>
    %max3A_194 = arith.constant 0.000000e+00 : f32
    %max3A_195 = vector.broadcast %max3A_194 : f32 to vector<2048x32xf32>
    %max3A_196 = arith.maximumf %add3A_193, %max3A_195 : vector<2048x32xf32>
    %get3A_197 = arith.constant 0 : index
    %get3A_198 = arith.constant 0 : index
    %get3A_199 = vector.load %arg37[%get3A_197, %get3A_198] : memref<32x1xf32, #tpu.memory_space<vmem>>, vector<32x1xf32>
    %dot_general3A_200 = arith.constant dense<0.000000e+00> : vector<2048x1xf32>
    %dot_general3A_201 = tpu.matmul %max3A_196, %get3A_199, %dot_general3A_200 {dimension_numbers = #tpu.dot_dimension_numbers<[1], [0], [0], [1], [0, 0, 1, 1], [], []>, transpose_lhs_hint = false} : vector<2048x32xf32>, vector<32x1xf32>, vector<2048x1xf32> -> vector<2048x1xf32>
    %add3A_202 = arith.addf %mul3A_161, %dot_general3A_201 : vector<2048x1xf32>
    %get3A_203 = arith.constant 0 : index
    %get3A_204 = arith.constant 0 : index
    %get3A_205 = vector.load %arg38[%get3A_203, %get3A_204] : memref<1x1xf32, #tpu.memory_space<vmem>>, vector<1x1xf32>
    %get3A_206 = vector.extract %get3A_205[0, 0] : f32 from vector<1x1xf32>
    %add3A_207 = vector.broadcast %get3A_206 : f32 to vector<2048x1xf32>
    %add3A_208 = arith.addf %add3A_202, %add3A_207 : vector<2048x1xf32>
    %swap3A_209 = arith.constant 0 : index
    %swap3A_210 = arith.constant 0 : index
    %swap3A_211 = vector.load %arg39[%swap3A_209, %swap3A_210] : memref<2048x1xf32, #tpu.memory_space<vmem>>, vector<2048x1xf32>
    tpu.vector_store %arg39[%swap3A_209, %swap3A_210], %add3A_208 {strides = array<i32>} : memref<2048x1xf32, #tpu.memory_space<vmem>>, vector<2048x1xf32>,
    return
  }
  func.func @transform_0(%arg0: i32) -> (i32, i32) {
    %add3A = arith.constant 0 : i32
    %add3A_0 = arith.addi %add3A, %arg0 : i32
    %c0_i32 = arith.constant 0 : i32
    %c0_i32_1 = arith.constant 0 : i32
    return %add3A_0, %c0_i32 : i32, i32
  }
  func.func @transform_1(%arg0: i32) -> (i32, i32) {
    %add3A = arith.constant 8 : i32
    %add3A_0 = arith.addi %add3A, %arg0 : i32
    %c0_i32 = arith.constant 0 : i32
    %c0_i32_1 = arith.constant 0 : i32
    return %add3A_0, %c0_i32 : i32, i32
  }
  func.func @transform_2(%arg0: i32) -> (i32, i32) {
    %add3A = arith.constant 16 : i32
    %add3A_0 = arith.addi %add3A, %arg0 : i32
    %c0_i32 = arith.constant 0 : i32
    %c0_i32_1 = arith.constant 0 : i32
    return %add3A_0, %c0_i32 : i32, i32
  }
  func.func @transform_3(%arg0: i32) -> (i32, i32) {
    %add3A = arith.constant 24 : i32
    %add3A_0 = arith.addi %add3A, %arg0 : i32
    %c0_i32 = arith.constant 0 : i32
    %c0_i32_1 = arith.constant 0 : i32
    return %add3A_0, %c0_i32 : i32, i32
  }
  func.func @transform_4(%arg0: i32) -> (i32, i32) {
    %add3A = arith.constant 0 : i32
    %add3A_0 = arith.addi %add3A, %arg0 : i32
    %c0_i32 = arith.constant 0 : i32
    %c0_i32_1 = arith.constant 0 : i32
    return %add3A_0, %c0_i32 : i32, i32
  }
  func.func @transform_5(%arg0: i32) -> (i32, i32) {
    %add3A = arith.constant 8 : i32
    %add3A_0 = arith.addi %add3A, %arg0 : i32
    %c0_i32 = arith.constant 0 : i32
    %c0_i32_1 = arith.constant 0 : i32
    return %add3A_0, %c0_i32 : i32, i32
  }
  func.func @transform_6(%arg0: i32) -> (i32, i32) {
    %add3A = arith.constant 16 : i32
    %add3A_0 = arith.addi %add3A, %arg0 : i32
    %c0_i32 = arith.constant 0 : i32
    %c0_i32_1 = arith.constant 0 : i32
    return %add3A_0, %c0_i32 : i32, i32
  }
  func.func @transform_7(%arg0: i32) -> (i32, i32) {
    %add3A = arith.constant 24 : i32
    %add3A_0 = arith.addi %add3A, %arg0 : i32
    %c0_i32 = arith.constant 0 : i32
    %c0_i32_1 = arith.constant 0 : i32
    return %add3A_0, %c0_i32 : i32, i32
  }
  func.func @transform_8(%arg0: i32) -> (i32, i32) {
    %add3A = arith.constant 32 : i32
    %add3A_0 = arith.addi %add3A, %arg0 : i32
    %c0_i32 = arith.constant 0 : i32
    %c0_i32_1 = arith.constant 0 : i32
    return %add3A_0, %c0_i32 : i32, i32
  }
  func.func @transform_9(%arg0: i32) -> (i32, i32) {
    %add3A = arith.constant 40 : i32
    %add3A_0 = arith.addi %add3A, %arg0 : i32
    %c0_i32 = arith.constant 0 : i32
    %c0_i32_1 = arith.constant 0 : i32
    return %add3A_0, %c0_i32 : i32, i32
  }
  func.func @transform_10(%arg0: i32) -> (i32, i32) {
    %add3A = arith.constant 48 : i32
    %add3A_0 = arith.addi %add3A, %arg0 : i32
    %c0_i32 = arith.constant 0 : i32
    %c0_i32_1 = arith.constant 0 : i32
    return %add3A_0, %c0_i32 : i32, i32
  }
  func.func @transform_11(%arg0: i32) -> (i32, i32) {
    %add3A = arith.constant 56 : i32
    %add3A_0 = arith.addi %add3A, %arg0 : i32
    %c0_i32 = arith.constant 0 : i32
    %c0_i32_1 = arith.constant 0 : i32
    return %add3A_0, %c0_i32 : i32, i32
  }
  func.func @transform_12(%arg0: i32) -> (i32, i32) {
    %add3A = arith.constant 64 : i32
    %add3A_0 = arith.addi %add3A, %arg0 : i32
    %c0_i32 = arith.constant 0 : i32
    %c0_i32_1 = arith.constant 0 : i32
    return %add3A_0, %c0_i32 : i32, i32
  }
  func.func @transform_13(%arg0: i32) -> (i32, i32) {
    %add3A = arith.constant 72 : i32
    %add3A_0 = arith.addi %add3A, %arg0 : i32
    %c0_i32 = arith.constant 0 : i32
    %c0_i32_1 = arith.constant 0 : i32
    return %add3A_0, %c0_i32 : i32, i32
  }
  func.func @transform_14(%arg0: i32) -> (i32, i32) {
    %add3A = arith.constant 80 : i32
    %add3A_0 = arith.addi %add3A, %arg0 : i32
    %c0_i32 = arith.constant 0 : i32
    %c0_i32_1 = arith.constant 0 : i32
    return %add3A_0, %c0_i32 : i32, i32
  }
  func.func @transform_15(%arg0: i32) -> (i32, i32) {
    %add3A = arith.constant 88 : i32
    %add3A_0 = arith.addi %add3A, %arg0 : i32
    %c0_i32 = arith.constant 0 : i32
    %c0_i32_1 = arith.constant 0 : i32
    return %add3A_0, %c0_i32 : i32, i32
  }
  func.func @transform_16(%arg0: i32) -> (i32, i32) {
    %add3A = arith.constant 96 : i32
    %add3A_0 = arith.addi %add3A, %arg0 : i32
    %c0_i32 = arith.constant 0 : i32
    %c0_i32_1 = arith.constant 0 : i32
    return %add3A_0, %c0_i32 : i32, i32
  }
  func.func @transform_17(%arg0: i32) -> (i32, i32) {
    %add3A = arith.constant 104 : i32
    %add3A_0 = arith.addi %add3A, %arg0 : i32
    %c0_i32 = arith.constant 0 : i32
    %c0_i32_1 = arith.constant 0 : i32
    return %add3A_0, %c0_i32 : i32, i32
  }
  func.func @transform_18(%arg0: i32) -> (i32, i32) {
    %add3A = arith.constant 112 : i32
    %add3A_0 = arith.addi %add3A, %arg0 : i32
    %c0_i32 = arith.constant 0 : i32
    %c0_i32_1 = arith.constant 0 : i32
    return %add3A_0, %c0_i32 : i32, i32
  }
  func.func @transform_19(%arg0: i32) -> (i32, i32) {
    %add3A = arith.constant 120 : i32
    %add3A_0 = arith.addi %add3A, %arg0 : i32
    %c0_i32 = arith.constant 0 : i32
    %c0_i32_1 = arith.constant 0 : i32
    return %add3A_0, %c0_i32 : i32, i32
  }
  func.func @transform_20(%arg0: i32) -> (i32, i32) {
    %add3A = arith.constant 128 : i32
    %add3A_0 = arith.addi %add3A, %arg0 : i32
    %c0_i32 = arith.constant 0 : i32
    %c0_i32_1 = arith.constant 0 : i32
    return %add3A_0, %c0_i32 : i32, i32
  }
  func.func @transform_21(%arg0: i32) -> (i32, i32) {
    %add3A = arith.constant 136 : i32
    %add3A_0 = arith.addi %add3A, %arg0 : i32
    %c0_i32 = arith.constant 0 : i32
    %c0_i32_1 = arith.constant 0 : i32
    return %add3A_0, %c0_i32 : i32, i32
  }
  func.func @transform_22(%arg0: i32) -> (i32, i32) {
    %add3A = arith.constant 144 : i32
    %add3A_0 = arith.addi %add3A, %arg0 : i32
    %c0_i32 = arith.constant 0 : i32
    %c0_i32_1 = arith.constant 0 : i32
    return %add3A_0, %c0_i32 : i32, i32
  }
  func.func @transform_23(%arg0: i32) -> (i32, i32) {
    %add3A = arith.constant 152 : i32
    %add3A_0 = arith.addi %add3A, %arg0 : i32
    %c0_i32 = arith.constant 0 : i32
    %c0_i32_1 = arith.constant 0 : i32
    return %add3A_0, %c0_i32 : i32, i32
  }
  func.func @transform_24(%arg0: i32) -> (i32, i32) {
    %add3A = arith.constant 160 : i32
    %add3A_0 = arith.addi %add3A, %arg0 : i32
    %c0_i32 = arith.constant 0 : i32
    %c0_i32_1 = arith.constant 0 : i32
    return %add3A_0, %c0_i32 : i32, i32
  }
  func.func @transform_25(%arg0: i32) -> (i32, i32) {
    %add3A = arith.constant 168 : i32
    %add3A_0 = arith.addi %add3A, %arg0 : i32
    %c0_i32 = arith.constant 0 : i32
    %c0_i32_1 = arith.constant 0 : i32
    return %add3A_0, %c0_i32 : i32, i32
  }
  func.func @transform_26(%arg0: i32) -> (i32, i32) {
    %add3A = arith.constant 176 : i32
    %add3A_0 = arith.addi %add3A, %arg0 : i32
    %c0_i32 = arith.constant 0 : i32
    %c0_i32_1 = arith.constant 0 : i32
    return %add3A_0, %c0_i32 : i32, i32
  }
  func.func @transform_27(%arg0: i32) -> (i32, i32) {
    %add3A = arith.constant 184 : i32
    %add3A_0 = arith.addi %add3A, %arg0 : i32
    %c0_i32 = arith.constant 0 : i32
    %c0_i32_1 = arith.constant 0 : i32
    return %add3A_0, %c0_i32 : i32, i32
  }
  func.func @transform_28(%arg0: i32) -> (i32, i32) {
    %add3A = arith.constant 192 : i32
    %add3A_0 = arith.addi %add3A, %arg0 : i32
    %c0_i32 = arith.constant 0 : i32
    %c0_i32_1 = arith.constant 0 : i32
    return %add3A_0, %c0_i32 : i32, i32
  }
  func.func @transform_29(%arg0: i32) -> (i32, i32) {
    %add3A = arith.constant 200 : i32
    %add3A_0 = arith.addi %add3A, %arg0 : i32
    %c0_i32 = arith.constant 0 : i32
    %c0_i32_1 = arith.constant 0 : i32
    return %add3A_0, %c0_i32 : i32, i32
  }
  func.func @transform_30(%arg0: i32) -> (i32, i32) {
    %c0_i32 = arith.constant 0 : i32
    %c0_i32_0 = arith.constant 0 : i32
    %c0_i32_1 = arith.constant 0 : i32
    return %c0_i32, %c0_i32_0 : i32, i32
  }
  func.func @transform_31(%arg0: i32) -> (i32, i32) {
    %c0_i32 = arith.constant 0 : i32
    %c0_i32_0 = arith.constant 0 : i32
    %c0_i32_1 = arith.constant 0 : i32
    return %c0_i32, %c0_i32_0 : i32, i32
  }
  func.func @transform_32(%arg0: i32) -> (i32, i32) {
    %c0_i32 = arith.constant 0 : i32
    %c0_i32_0 = arith.constant 0 : i32
    %c0_i32_1 = arith.constant 0 : i32
    return %c0_i32, %c0_i32_0 : i32, i32
  }
  func.func @transform_33(%arg0: i32) -> (i32, i32) {
    %c0_i32 = arith.constant 0 : i32
    %c0_i32_0 = arith.constant 0 : i32
    %c0_i32_1 = arith.constant 0 : i32
    return %c0_i32, %c0_i32_0 : i32, i32
  }
  func.func @transform_34(%arg0: i32) -> (i32, i32) {
    %c0_i32 = arith.constant 0 : i32
    %c0_i32_0 = arith.constant 0 : i32
    %c0_i32_1 = arith.constant 0 : i32
    return %c0_i32, %c0_i32_0 : i32, i32
  }
  func.func @transform_35(%arg0: i32) -> (i32, i32) {
    %c0_i32 = arith.constant 0 : i32
    %c0_i32_0 = arith.constant 0 : i32
    %c0_i32_1 = arith.constant 0 : i32
    return %c0_i32, %c0_i32_0 : i32, i32
  }
  func.func @transform_36(%arg0: i32) -> (i32, i32) {
    %c0_i32 = arith.constant 0 : i32
    %c0_i32_0 = arith.constant 0 : i32
    %c0_i32_1 = arith.constant 0 : i32
    return %c0_i32, %c0_i32_0 : i32, i32
  }
  func.func @transform_37(%arg0: i32) -> (i32, i32) {
    %c0_i32 = arith.constant 0 : i32
    %c0_i32_0 = arith.constant 0 : i32
    %c0_i32_1 = arith.constant 0 : i32
    return %c0_i32, %c0_i32_0 : i32, i32
  }
  func.func @transform_38(%arg0: i32) -> (i32, i32) {
    %c0_i32 = arith.constant 0 : i32
    %c0_i32_0 = arith.constant 0 : i32
    return %arg0, %c0_i32 : i32, i32
  }
  func.func @transform_39(%arg0: i32) -> (i32, i32) {
    %c0_i32 = arith.constant 0 : i32
    %c0_i32_0 = arith.constant 0 : i32
    return %arg0, %c0_i32 : i32, i32
  }
}

</mosaic_0001>

<sc_bundles>
// kernel: kernel.4.cloned.1.call-start
scs
__scs_entry_jumppad:
0x0: {  	(pc) =	sbr.rel $0x88, $3  }
0x1: {  	(tag) =	ssettag $0x0;
	lr =	simm.s32 $0x1  }
0x2: {  	[smem:$0x3F8F] =	sst lr;
	_ =	strace $0xD0000000  }
0x3: {  	_ = 	snop  }
0x4: {  	_ = 	snop  }
0x5: {  	_ = 	snop  }
0x6: {  	_ = 	snop  }
0x7: {  	_ = 	snop  }
__scs_overlays_trampoline_lowered:
0x8: {  	[smem:$0x3F9E] =	sst s0  }
0x9: {  	[smem:$0x3F9F] =	sst s1  }
0xa: {  	[smem:$0x3FA0] =	sst s2  }
0xb: {  	[smem:$0x3FA1] =	sst s3  }
0xc: {  	[smem:$0x3FA2] =	sst s4  }
0xd: {  	[smem:$0x3FA3] =	sst s5  }
0xe: {  	[smem:$0x3FA4] =	sst s6  }
0xf: {  	[smem:$0x3FA5] =	sst s7  }
0x10: {  	[smem:$0x3FA6] =	sst s8  }
0x11: {  	[smem:$0x3FA7] =	sst s9;
	s0 =	simm.s32 @!p0 $0x0  }
0x12: {  	s1 =	sld [smem:$0x3F8D];
	s0 =	simm.s32 @p0 $0x1  }
0x13: {  	[smem:$0x3FA8] =	sst s0;
	s0 =	simm.s32 @!p1 $0x0  }
0x14: {  	s2 =	sld [smem:$0x3F8C];
	s0 =	simm.s32 @p1 $0x1  }
0x15: {  	[smem:$0x3FA9] =	sst s0;
	s0 =	simm.s32 @!p2 $0x0  }
0x16: {  	s3 =	sld [smem:$0x3FDB];
	s0 =	simm.s32 @p2 $0x1  }
0x17: {  	s4 =	simm.s32 $0x1BF5;
	[smem:$0x3FAB] =	sst s0  }
0x18: {  	s0 =	sld [smem:$0x3F8E];
	_ =	swait.ge [sflag:s4], $0x0  }
0x19: {  	s7 =	sld [smem:$0x3F8F]  }
0x1a: {  	s8 =	sadd.s32 $0xFFFFE003, lr  }
0x1b: {  	s9 =	sadd.s32 $0xFFFFFEF7, lr;
	s5 =	simm.s32 $0xFFFFFFFF;
	p2 =	slt.u32 s8, $0xFFFFF086  }
0x1c: {  	p1 =	slt.u32 s9, $0xF7A;
	s5 =	simm.s32 @!p2 $0x0  }
0x1d: {  	s5 =	simm.s32 @p1 $0x1;
	p0 =	seq.s32 s7, s2  }
0x1e: {  	s7 =	smul.u32 @!p0 $0xF7A, s2;
	p2 =	seq.s32 @!p0 s5, $0x0  }
0x1f: {  	s9 =	smul.u32 $0xF7A, s1;
	s8 =	simm.s32 @!p0 $0x1BF5;
	p2 =	por !p2, p0  }
0x20: {  	[sflag:s8] =	ssyncset.s32 @!p0 $0xFFFFF086;
	s6 =	sadd.s32 @!p0 s3, s7;
	s7 =	simm.s32 @!p0 $0x108  }
0x21: {  	s3 =	sadd.s32 s3, s9;
	s6 =	sadd.s32 @!p0 $0x88, s6;
	s7 =	simm.s32 @p2 $0x1082  }
0x22: {  	[simem:s7], [sflag:s8] =	dma.local @!p0 [hbm:s6], $0xF7A  }
0x23: {  	s9 =	sor.u32 $0xD0000000, s2;
	s6 =	simm.s32 $0x108;
	_ =	swait.ge @!p0 [sflag:s8], $0x0  }
0x24: {  	s3 =	sadd.s32 $0x88, s3;
	s6 =	simm.s32 @!p1 $0x1082;
	[sflag:s4] =	ssyncset.s32 $0xFFFFF086  }
0x25: {  	[simem:s6], [sflag:s4] =	dma.local [hbm:s3], $0xF7A  }
0x26: {  	[smem:$0x3F8F] =	sst s1;
	(tag) =	ssettag s2;
	_ =	strace s9  }
0x27: {  	s1 =	sld [smem:$0x3F9F]  }
0x28: {  	s2 =	sld [smem:$0x3FA0]  }
0x29: {  	s4 =	sld [smem:$0x3FA2]  }
0x2a: {  	p0 =	seq.s32 s5, $0x0;
	s5 =	sld [smem:$0x3FA3]  }
0x2b: {  	s6 =	sld [smem:$0x3FA4]  }
0x2c: {  	s7 =	sld [smem:$0x3FA5]  }
0x2d: {  	s3 =	simm.s32 $0x108;
	s8 =	sld [smem:$0x3FA6]  }
0x2e: {  	s3 =	simm.s32 @!p0 $0x1082;
	s9 =	sld [smem:$0x3FA7]  }
0x2f: {  	lr =	sadd.s32 s0, s3;
	s0 =	sld [smem:$0x3F9E]  }
0x30: {  	s3 =	sld [smem:$0x3FA1]  }
0x31: {  	[smem:$0x3FAA] =	sst s10  }
0x32: {  	s10 =	sld [smem:$0x3FA8];
	_ =	sdelay $0x3  }
0x33: {  	p0 =	seq.s32 s10, $0x1;
	s10 =	sld [smem:$0x3FAA];
	_ =	sdelay $0x3  }
0x34: {  	[smem:$0x3FAA] =	sst s10  }
0x35: {  	s10 =	sld [smem:$0x3FA9];
	_ =	sdelay $0x3  }
0x36: {  	p1 =	seq.s32 s10, $0x1;
	s10 =	sld [smem:$0x3FAA];
	_ =	sdelay $0x3  }
0x37: {  	[smem:$0x3FAA] =	sst s10  }
0x38: {  	s10 =	sld [smem:$0x3FAB]  }
0x39: {  	_ = 	snop;
	(pc) =	sbr.ind lr, $3  }
0x3a: {  	_ = 	snop  }
0x3b: {  	_ = 	snop  }
0x3c: {  	p2 =	seq.s32 s10, $0x1;
	s10 =	sld [smem:$0x3FAA]  }
0x3d: {  	_ =	shalt  }
0x3e: {  	_ =	shalt  }
0x3f: {  	_ =	shalt  }
0x40: {  	_ =	shalt  }
0x41: {  	_ =	shalt  }
0x42: {  	_ =	shalt  }
0x43: {  	_ =	shalt  }
0x44: {  	_ =	shalt  }
0x45: {  	_ =	shalt  }
0x46: {  	_ =	shalt  }
0x47: {  	_ =	shalt  }
0x48: {  	_ =	shalt  }
0x49: {  	_ =	shalt  }
0x4a: {  	_ =	shalt  }
0x4b: {  	_ =	shalt  }
0x4c: {  	_ =	shalt  }
0x4d: {  	_ =	shalt  }
0x4e: {  	_ =	shalt  }
0x4f: {  	_ =	shalt  }
0x50: {  	_ =	shalt  }
0x51: {  	_ =	shalt  }
0x52: {  	_ =	shalt  }
0x53: {  	_ =	shalt  }
0x54: {  	_ =	shalt  }
0x55: {  	_ =	shalt  }
0x56: {  	_ =	shalt  }
0x57: {  	_ =	shalt  }
0x58: {  	_ =	shalt  }
0x59: {  	_ =	shalt  }
0x5a: {  	_ =	shalt  }
0x5b: {  	_ =	shalt  }
0x5c: {  	_ =	shalt  }
0x5d: {  	_ =	shalt  }
0x5e: {  	_ =	shalt  }
0x5f: {  	_ =	shalt  }
0x60: {  	_ =	shalt  }
0x61: {  	_ =	shalt  }
0x62: {  	_ =	shalt  }
0x63: {  	_ =	shalt  }
0x64: {  	_ =	shalt  }
0x65: {  	_ =	shalt  }
0x66: {  	_ =	shalt  }
0x67: {  	_ =	shalt  }
0x68: {  	_ =	shalt  }
0x69: {  	_ =	shalt  }
0x6a: {  	_ =	shalt  }
0x6b: {  	_ =	shalt  }
0x6c: {  	_ =	shalt  }
0x6d: {  	_ =	shalt  }
0x6e: {  	_ =	shalt  }
0x6f: {  	_ =	shalt  }
0x70: {  	_ =	shalt  }
0x71: {  	_ =	shalt  }
0x72: {  	_ =	shalt  }
0x73: {  	_ =	shalt  }
0x74: {  	_ =	shalt  }
0x75: {  	_ =	shalt  }
0x76: {  	_ =	shalt  }
0x77: {  	_ =	shalt  }
0x78: {  	_ =	shalt  }
0x79: {  	_ =	shalt  }
0x7a: {  	_ =	shalt  }
0x7b: {  	_ =	shalt  }
0x7c: {  	_ =	shalt  }
0x7d: {  	_ =	shalt  }
0x7e: {  	_ =	shalt  }
0x7f: {  	_ =	shalt  }
0x80: {  	_ =	shalt  }
0x81: {  	_ =	shalt  }
0x82: {  	_ =	shalt  }
0x83: {  	_ =	shalt  }
0x84: {  	_ =	shalt  }
0x85: {  	_ =	shalt  }
0x86: {  	_ =	shalt  }
0x87: {  	_ =	shalt  }
.Lfunc_end0:
.L_simem_size_0:
called_computation_lowered:
.L_overlay_start_0:
0x88: {  	s2 =	sld [smem:$0x3FD9]  }
0x89: {  	s3 =	sld [smem:$0x3FFE];
	_ =	sdelay $0x1  }
0x8a: {  	s1 =	srdreg.scid  }
0x8b: {  	s0 =	sand.u32 $0x1, s1  }
0x8c: {  	s16 =	sshll.u32 s0, $0xA;
	s2 =	sadd.s32 s3, s2  }
0x8d: {  	s2 =	sadd.s32 s2, s16  }
0x8e: {  	[smem:$0x3FB6] =	sst s2  }
0x8f: {  	_ = 	snop  }
0x90: {  	(tm) =	ssettm $0x1  }
0x91: {  	s17 =	sld [smem:$0x3FFB];
	_ =	sdelay $0x3  }
0x92: {  	_ =	strace s17  }
0x93: {  	s2 =	sld [smem:$0x3FFC];
	_ =	sdelay $0x3  }
0x94: {  	_ =	strace s2  }
0x95: {  	s2 =	sld [smem:$0x3FFD];
	_ =	sdelay $0x3  }
0x96: {  	_ =	strace s2  }
0x97: {  	_ =	strace $0x8FFFFFFF  }
0x98: {  	s18 =	sld [smem:$0x3FDB];
	_ =	sdelay $0x1  }
0x99: {  	s19 =	simm.s32 $_scs_section_size  }
0x9a: {  	s4 =	simm.s32 $_size__tile_overlayer_lowered;
	s5 =	simm.s32 $_tile_overlayer_lowered  }
0x9b: {  	s22 =	simm.s32 $0x1BFF;
	s21 =	sshll.u32 s5, $0x1;
	s2 =	sadd.s32 s19, s18  }
0x9c: {  	s6 =	simm.s32 $0x0;
	s20 =	sshll.u32 s4, $0x1;
	s4 =	sadd.s32 s21, s2  }
0x9d: {  	[timem:s6], [sflag:s22] =	dma.local [hbm:s4], s20  }
0x9e: {  	_ =	swait.ge [sflag:s22], s20  }
0x9f: {  	s3 =	ssub.s32 $0x0, s20;
	[sflag:s22] =	ssyncset.done $0x0  }
0xa0: {  	[sflag:s22] =	ssyncadd.s32 s3;
	_ =	sdelay $0x1  }
0xa1: {  	s23 =	simm.s32 $0x1B8B  }
0xa2: {  	_ =	swait.ge [sflag:s23], $0x1  }
0xa3: {  	[sflag:s23] =	ssyncset.done $0x0  }
0xa4: {  	s25 =	simm.s32 $0x1B8E;
	s24 =	sld [smem:$0x3FFE];
	[sflag:s23] =	ssyncadd.s32 $0xFFFFFFFF  }
0xa5: {  	s26 =	simm.s32 $execute0_lowered;
	[smem:$0x3FD2] =	sst s25  }
0xa6: {  	s4 =	sshll.u32 s26, $0x1;
	_ =	strace $0x80000046;
	[dreg:$0x1] =	wrdreg $0xFFFFFFFF  }
0xa7: {  	s28 =	simm.s32 $_size_execute0_lowered;
	s2 =	sadd.s32 s2, s4;
	[dreg:$0x0] =	wrdreg $0x0  }
0xa8: {  	s4 =	sshll.u32 s28, $0x1;
	[dreg:$0x2] =	wrdreg s2  }
0xa9: {  	[dreg:$0x3] =	wrdreg s4  }
0xaa: {  	[dreg:$0x4] =	wrdreg $0xC0  }
0xab: {  	_ =	task [dreg:s6], $0x5FFFF  }
0xac: {  	[dreg:$0x1] =	wrdreg $0xFFFFFFFF  }
0xad: {  	[dreg:$0x0] =	wrdreg $0x60  }
0xae: {  	[dreg:$0x2] =	wrdreg s24  }
0xaf: {  	[dreg:$0x3] =	wrdreg $0x9  }
0xb0: {  	_ =	task.clear_ibuf [dreg:s6], $0x4FFFF;
	_ =	strace $0x90000046  }
0xb1: {  	s29 =	simm.s32 $0x9;
	_ =	strace $0x80000048  }
0xb2: {  	_ =	swait.ge [sflag:s29], $0x1  }
0xb3: {  	[sflag:s29] =	ssyncadd.s32 $0xFFFFFFFF  }
0xb4: {  	_ =	strace $0x90000048  }
0xb5: {  	_ =	sfence  }
0xb6: {  	s30 =	sld [smem:$0x0];
	_ =	sdelay $0x2  }
0xb7: {  	s31 =	sshll.u32 s1, $0xD;
	s1 =	sshrl.u32 s1, $0x2  }
0xb8: {  	s3 =	sand.u32 $0x4000, s31;
	s1 =	sadd.s32 s1, s30  }
0xb9: {  	s0 =	sor.u32 s3, s0;
	s1 =	sshll.u32 s1, $0x11  }
0xba: {  	s0 =	sor.u32 s1, s0  }
0xbb: {  	s0 =	sadd.s32 $0x8F2B, s0  }
0xbc: {  	[sflag:s0] =	ssyncadd.remote.s32 $0x1  }
0xbd: {  	_ =	sfence.sel $0xFFFF  }
0xbe: {  	[dreg:$0x0] =	wrdreg $0xFFFFFFFF;
	(pc) =	sbr.abs _section_cstart, $3  }
0xbf: {  	[dreg:$0x1] =	wrdreg $0xFFFFFFFF  }
0xc0: {  	_ =	task.clear_ibuf [dreg:s6], $0x2FFFF;
	_ =	strace $0x9FFFFFFF  }
0xc1: {  	(tm) =	ssettm $0x7FFFFFFF  }
tec
execute0_lowered:
.L_overlay_start_1:
0x0: {  	(tag) =	ssettag $0x1  }
0x1: {  	s0 =	srdreg.scid  }
0x2: {  	s3 =	stileid.u32;
	s6 =	rddreg [dreg:$0x0];
	s2 =	simm.s32 $0x0  }
0x3: {  	s8 =	simm.s32 $0x10480;
	s13 =	simm.s32 $0x10500;
	s15 =	simm.s32 $0x10580  }
0x4: {  	s17 =	simm.s32 $0x10600;
	s18 =	simm.s32 $0x10680;
	[smem:$0x7FF] =	sst s2  }
0x5: {  	s19 =	simm.s32 $0x10700;
	_ =	strace $0x80000047;
	[dreg:$0x2] =	wrdreg s8  }
0x6: {  	s21 =	simm.s32 $0x10780;
	s11 =	simm.s32 $0x4;
	[dreg:$0x3] =	wrdreg s13  }
0x7: {  	s22 =	simm.s32 $0x10800;
	s23 =	simm.s32 $0x10880;
	[dreg:$0x4] =	wrdreg s15  }
0x8: {  	s24 =	simm.s32 $0x10900;
	s25 =	simm.s32 $0x10980;
	[dreg:$0x5] =	wrdreg s17  }
0x9: {  	s26 =	simm.s32 $0x10A00;
	s28 =	simm.s32 $0xF400;
	[dreg:$0x6] =	wrdreg s18  }
0xa: {  	s29 =	simm.s32 $0xFC00;
	s30 =	simm.s32 $0x1;
	[dreg:$0x7] =	wrdreg s19  }
0xb: {  	s31 =	simm.s32 $0x3;
	s0 =	sand.u32 $0x1, s0;
	[dreg:$0x8] =	wrdreg s21  }
0xc: {  	s1 =	sshll.u32 s3, $0x1;
	s5 =	smul.u32 $0x6800, s3;
	[dreg:$0x9] =	wrdreg s22  }
0xd: {  	s3 =	sadd.s32 $0x27D5600, s6;
	s4 =	sadd.s32 $0x29200, s6;
	[dreg:$0xa] =	wrdreg s23  }
0xe: {  	s1 =	sor.u32 s0, s1;
	s7 =	smul.u32 $0x3400, s0;
	[dreg:$0xb] =	wrdreg s24  }
0xf: {  	s0 =	ssub.s32 $0x2, s0;
	s15 =	simm.s32 $0x10400;
	[dreg:$0xc] =	wrdreg s25  }
0x10: {  	[dreg:$0xd] =	wrdreg s26;
	s17 =	simm.s32 $0xA400;
	s18 =	simm.s32 $0xAC00  }
0x11: {  	s19 =	simm.s32 $0xB400;
	s21 =	simm.s32 $0xC400;
	s22 =	simm.s32 $0xCC00  }
0x12: {  	s23 =	simm.s32 $0xD400;
	s1 =	smul.u32 $0x680, s1;
	s12 =	sshrl.u32 s0, $0x1  }
0x13: {  	s24 =	simm.s32 $0xDC00;
	s25 =	simm.s32 $0xE400;
	s0 =	ssub.s32 s0, s12  }
0x14: {  	s26 =	simm.s32 $0xEC00;
	s1 =	sadd.s32 s1, s6;
	s0 =	smax.u32 s0, $0x1  }
0x15: {  	s7 =	sadd.s32 s7, s5;
	s14 =	sadd.s32 $0xF200, s1;
	[dreg:$0x11] =	wrdreg s0  }
0x16: {  	s5 =	sadd.s32 $0x85800, s6;
	s16 =	sadd.s32 $0x2200, s1;
	[dreg:$0xe] =	wrdreg s14  }
0x17: {  	s7 =	sshrl.u32 s7, $0x3;
	s1 =	sadd.s32 $0x1C200, s1;
	[dreg:$0xf] =	wrdreg s16  }
0x18: {  	s6 =	sadd.s32 s7, s6;
	s0 =	simm.s32 $0x0;
	[dreg:$0x10] =	wrdreg s1  }
0x19: {  	s20 =	sadd.s32 $0x78800, s6;
	s14 =	simm.s32 $0x80;
	s16 =	simm.s32 $0x9C00  }
0x1a: {  	s1 =	simm.s32 $0x2;
	[dreg:$0x12] =	wrdreg s20;
	s20 =	simm.s32 $0xBC00  }
.LBB2_1:
0x1b: {  	s6 =	rddreg [dreg:$0xe]  }
0x1c: {  	[tilespmem:s2], [sflag:$0x4] =	stream.linear.gather [hbm4b:s6+s2], $0x3400, $0x38;
	[tilespmem:$0x10A80] =	vst v63  }
0x1d: {  	_ =	swait.ge [sflag:s11], $0x3400  }
0x1e: {  	[sflag:s11] =	ssyncset.done $0x0  }
0x1f: {  	s7 =	simm.s32 $0x3400;
	s13 =	rddreg [dreg:$0xf];
	[sflag:s11] =	ssyncadd.s32 $0xFFFFCC00  }
0x20: {  	[tilespmem:s7], [sflag:$0x4] =	stream.linear.gather [hbm4b:s13+s2], $0x3400, $0x38;
	[tilespmem:$0x10A80] =	vst v63  }
0x21: {  	_ =	swait.ge [sflag:s11], $0x3400  }
0x22: {  	[sflag:s11] =	ssyncset.done $0x0  }
0x23: {  	s9 =	simm.s32 $0x6800;
	s8 =	rddreg [dreg:$0x10];
	[sflag:s11] =	ssyncadd.s32 $0xFFFFCC00  }
0x24: {  	[tilespmem:s9], [sflag:$0x4] =	stream.linear.gather [hbm4b:s8+s2], $0x3400, $0x38;
	[tilespmem:$0x10A80] =	vst v63  }
0x25: {  	_ =	swait.ge [sflag:s11], $0x3400  }
0x26: {  	[sflag:s11] =	ssyncset.done $0x0  }
0x27: {  	s12 =	simm.s32 $0x6800;
	[sflag:s11] =	ssyncadd.s32 $0xFFFFCC00  }
0x28: {  	[tilespmem:s15], [sflag:$0x3] =	stream.indirect.gather [hbm4b:s4+s14], $0x1, s12, s14, $0xb8;
	[tilespmem:$0x10A80] =	vst v63  }
0x29: {  	s13 =	simm.s32 $0x6880;
	s10 =	rddreg [dreg:$0x2]  }
0x2a: {  	[tilespmem:s10], [sflag:$0x3] =	stream.indirect.gather [hbm4b:s4+s14], $0x1, s13, s14, $0xb8;
	[tilespmem:$0x10A80] =	vst v63  }
0x2b: {  	s9 =	simm.s32 $0x6900;
	s8 =	rddreg [dreg:$0x3]  }
0x2c: {  	[tilespmem:s8], [sflag:$0x3] =	stream.indirect.gather [hbm4b:s4+s14], $0x1, s9, s14, $0xb8;
	[tilespmem:$0x10A80] =	vst v63  }
0x2d: {  	s12 =	simm.s32 $0x6980;
	s10 =	rddreg [dreg:$0x4]  }
0x2e: {  	[tilespmem:s10], [sflag:$0x3] =	stream.indirect.gather [hbm4b:s4+s14], $0x1, s12, s14, $0xb8;
	[tilespmem:$0x10A80] =	vst v63  }
0x2f: {  	s13 =	rddreg [dreg:$0x5];
	s9 =	simm.s32 $0x6A00  }
0x30: {  	[tilespmem:s13], [sflag:$0x3] =	stream.indirect.gather [hbm4b:s4+s14], $0x1, s9, s14, $0xb8;
	[tilespmem:$0x10A80] =	vst v63  }
0x31: {  	s10 =	rddreg [dreg:$0x6];
	s12 =	simm.s32 $0x6A80  }
0x32: {  	[tilespmem:s10], [sflag:$0x3] =	stream.indirect.gather [hbm4b:s4+s14], $0x1, s12, s14, $0xb8;
	[tilespmem:$0x10A80] =	vst v63  }
0x33: {  	s13 =	rddreg [dreg:$0x7];
	s9 =	simm.s32 $0x6B00  }
0x34: {  	[tilespmem:s13], [sflag:$0x3] =	stream.indirect.gather [hbm4b:s4+s14], $0x1, s9, s14, $0xb8;
	[tilespmem:$0x10A80] =	vst v63  }
0x35: {  	s10 =	rddreg [dreg:$0x8];
	s12 =	simm.s32 $0x6B80  }
0x36: {  	[tilespmem:s10], [sflag:$0x3] =	stream.indirect.gather [hbm4b:s4+s14], $0x1, s12, s14, $0xb8;
	[tilespmem:$0x10A80] =	vst v63  }
0x37: {  	s13 =	rddreg [dreg:$0x9];
	s9 =	simm.s32 $0x6C00  }
0x38: {  	[tilespmem:s13], [sflag:$0x3] =	stream.indirect.gather [hbm4b:s4+s14], $0x1, s9, s14, $0xb8;
	[tilespmem:$0x10A80] =	vst v63  }
0x39: {  	s10 =	rddreg [dreg:$0xa];
	s12 =	simm.s32 $0x6C80  }
0x3a: {  	[tilespmem:s10], [sflag:$0x3] =	stream.indirect.gather [hbm4b:s4+s14], $0x1, s12, s14, $0xb8;
	[tilespmem:$0x10A80] =	vst v63  }
0x3b: {  	s13 =	rddreg [dreg:$0xb];
	s9 =	simm.s32 $0x6D00  }
0x3c: {  	[tilespmem:s13], [sflag:$0x3] =	stream.indirect.gather [hbm4b:s4+s14], $0x1, s9, s14, $0xb8;
	[tilespmem:$0x10A80] =	vst v63  }
0x3d: {  	s10 =	rddreg [dreg:$0xc];
	s12 =	simm.s32 $0x6D80  }
0x3e: {  	[tilespmem:s10], [sflag:$0x3] =	stream.indirect.gather [hbm4b:s4+s14], $0x1, s12, s14, $0xb8;
	[tilespmem:$0x10A80] =	vst v63  }
0x3f: {  	s7 =	simm.s32 $0x6E00;
	s13 =	rddreg [dreg:$0xd]  }
0x40: {  	[tilespmem:s13], [sflag:$0x3] =	stream.indirect.gather [hbm4b:s4+s14], $0x1, s7, s14, $0xb8;
	[tilespmem:$0x10A80] =	vst v63  }
0x41: {  	s9 =	simm.s32 $0x0  }
0x42: {  	[tilespmem:s16], [sflag:$0x1] =	stream.indirect.gather [hbm4b:s3+s14], $0x10, s9, s14, $0xb8;
	[tilespmem:$0x10A80] =	vst v63  }
0x43: {  	s10 =	simm.s32 $0x80  }
0x44: {  	[tilespmem:s17], [sflag:$0x1] =	stream.indirect.gather [hbm4b:s3+s14], $0x10, s10, s14, $0xb8;
	[tilespmem:$0x10A80] =	vst v63  }
0x45: {  	s12 =	simm.s32 $0x100  }
0x46: {  	[tilespmem:s18], [sflag:$0x1] =	stream.indirect.gather [hbm4b:s3+s14], $0x10, s12, s14, $0xb8;
	[tilespmem:$0x10A80] =	vst v63  }
0x47: {  	s13 =	simm.s32 $0x180  }
0x48: {  	[tilespmem:s19], [sflag:$0x1] =	stream.indirect.gather [hbm4b:s3+s14], $0x10, s13, s14, $0xb8;
	[tilespmem:$0x10A80] =	vst v63  }
0x49: {  	s7 =	simm.s32 $0x200  }
0x4a: {  	[tilespmem:s20], [sflag:$0x1] =	stream.indirect.gather [hbm4b:s3+s14], $0x10, s7, s14, $0xb8;
	[tilespmem:$0x10A80] =	vst v63  }
0x4b: {  	s8 =	simm.s32 $0x280  }
0x4c: {  	[tilespmem:s21], [sflag:$0x1] =	stream.indirect.gather [hbm4b:s3+s14], $0x10, s8, s14, $0xb8;
	[tilespmem:$0x10A80] =	vst v63  }
0x4d: {  	s9 =	simm.s32 $0x300  }
0x4e: {  	[tilespmem:s22], [sflag:$0x1] =	stream.indirect.gather [hbm4b:s3+s14], $0x10, s9, s14, $0xb8;
	[tilespmem:$0x10A80] =	vst v63  }
0x4f: {  	s10 =	simm.s32 $0x380  }
0x50: {  	[tilespmem:s23], [sflag:$0x1] =	stream.indirect.gather [hbm4b:s3+s14], $0x10, s10, s14, $0xb8;
	[tilespmem:$0x10A80] =	vst v63  }
0x51: {  	s12 =	simm.s32 $0x400  }
0x52: {  	[tilespmem:s24], [sflag:$0x1] =	stream.indirect.gather [hbm4b:s3+s14], $0x10, s12, s14, $0xb8;
	[tilespmem:$0x10A80] =	vst v63  }
0x53: {  	s13 =	simm.s32 $0x480  }
0x54: {  	[tilespmem:s25], [sflag:$0x1] =	stream.indirect.gather [hbm4b:s3+s14], $0x10, s13, s14, $0xb8;
	[tilespmem:$0x10A80] =	vst v63  }
0x55: {  	s7 =	simm.s32 $0x500  }
0x56: {  	[tilespmem:s26], [sflag:$0x1] =	stream.indirect.gather [hbm4b:s3+s14], $0x10, s7, s14, $0xb8;
	[tilespmem:$0x10A80] =	vst v63  }
0x57: {  	s8 =	simm.s32 $0x580  }
0x58: {  	[tilespmem:s28], [sflag:$0x1] =	stream.indirect.gather [hbm4b:s3+s14], $0x10, s8, s14, $0xb8;
	[tilespmem:$0x10A80] =	vst v63  }
0x59: {  	s9 =	simm.s32 $0x600  }
0x5a: {  	[tilespmem:s29], [sflag:$0x1] =	stream.indirect.gather [hbm4b:s3+s14], $0x10, s9, s14, $0xb8;
	[tilespmem:$0x10A80] =	vst v63  }
0x5b: {  	_ =	swait.ge [sflag:s30], $0x800  }
0x5c: {  	[sflag:s30] =	ssyncset.done $0x0  }
0x5d: {  	s10 =	simm.s32 $0x3400;
	[sflag:s30] =	ssyncadd.s32 $0xFFFFF800  }
0x5e: {  	[hbm4b:s5+s14] =	stream.indirect.scatter [tilespmem:s16], [sflag:$0x2], $0x10, s10, s14, $0xb8;
	[tilespmem:$0x10A80] =	vst v63  }
0x5f: {  	_ =	swait.ge [sflag:s30], $0x800  }
0x60: {  	[sflag:s30] =	ssyncset.done $0x0  }
0x61: {  	s12 =	simm.s32 $0x3480;
	[sflag:s30] =	ssyncadd.s32 $0xFFFFF800  }
0x62: {  	[hbm4b:s5+s14] =	stream.indirect.scatter [tilespmem:s17], [sflag:$0x2], $0x10, s12, s14, $0xb8;
	[tilespmem:$0x10A80] =	vst v63  }
0x63: {  	_ =	swait.ge [sflag:s30], $0x800  }
0x64: {  	[sflag:s30] =	ssyncset.done $0x0  }
0x65: {  	s13 =	simm.s32 $0x3500;
	[sflag:s30] =	ssyncadd.s32 $0xFFFFF800  }
0x66: {  	[hbm4b:s5+s14] =	stream.indirect.scatter [tilespmem:s18], [sflag:$0x2], $0x10, s13, s14, $0xb8;
	[tilespmem:$0x10A80] =	vst v63  }
0x67: {  	_ =	swait.ge [sflag:s30], $0x800  }
0x68: {  	[sflag:s30] =	ssyncset.done $0x0  }
0x69: {  	s7 =	simm.s32 $0x3580;
	[sflag:s30] =	ssyncadd.s32 $0xFFFFF800  }
0x6a: {  	[hbm4b:s5+s14] =	stream.indirect.scatter [tilespmem:s19], [sflag:$0x2], $0x10, s7, s14, $0xb8;
	[tilespmem:$0x10A80] =	vst v63  }
0x6b: {  	_ =	swait.ge [sflag:s30], $0x800  }
0x6c: {  	[sflag:s30] =	ssyncset.done $0x0  }
0x6d: {  	s8 =	simm.s32 $0x3600;
	[sflag:s30] =	ssyncadd.s32 $0xFFFFF800  }
0x6e: {  	[hbm4b:s5+s14] =	stream.indirect.scatter [tilespmem:s20], [sflag:$0x2], $0x10, s8, s14, $0xb8;
	[tilespmem:$0x10A80] =	vst v63  }
0x6f: {  	_ =	swait.ge [sflag:s30], $0x800  }
0x70: {  	[sflag:s30] =	ssyncset.done $0x0  }
0x71: {  	s9 =	simm.s32 $0x3680;
	[sflag:s30] =	ssyncadd.s32 $0xFFFFF800  }
0x72: {  	[hbm4b:s5+s14] =	stream.indirect.scatter [tilespmem:s21], [sflag:$0x2], $0x10, s9, s14, $0xb8;
	[tilespmem:$0x10A80] =	vst v63  }
0x73: {  	_ =	swait.ge [sflag:s30], $0x800  }
0x74: {  	[sflag:s30] =	ssyncset.done $0x0  }
0x75: {  	s10 =	simm.s32 $0x3700;
	[sflag:s30] =	ssyncadd.s32 $0xFFFFF800  }
0x76: {  	[hbm4b:s5+s14] =	stream.indirect.scatter [tilespmem:s22], [sflag:$0x2], $0x10, s10, s14, $0xb8;
	[tilespmem:$0x10A80] =	vst v63  }
0x77: {  	_ =	swait.ge [sflag:s30], $0x800  }
0x78: {  	[sflag:s30] =	ssyncset.done $0x0  }
0x79: {  	s12 =	simm.s32 $0x3780;
	[sflag:s30] =	ssyncadd.s32 $0xFFFFF800  }
0x7a: {  	[hbm4b:s5+s14] =	stream.indirect.scatter [tilespmem:s23], [sflag:$0x2], $0x10, s12, s14, $0xb8;
	[tilespmem:$0x10A80] =	vst v63  }
0x7b: {  	_ =	swait.ge [sflag:s30], $0x800  }
0x7c: {  	[sflag:s30] =	ssyncset.done $0x0  }
0x7d: {  	s13 =	simm.s32 $0x3800;
	[sflag:s30] =	ssyncadd.s32 $0xFFFFF800  }
0x7e: {  	[hbm4b:s5+s14] =	stream.indirect.scatter [tilespmem:s24], [sflag:$0x2], $0x10, s13, s14, $0xb8;
	[tilespmem:$0x10A80] =	vst v63  }
0x7f: {  	_ =	swait.ge [sflag:s30], $0x800  }
0x80: {  	[sflag:s30] =	ssyncset.done $0x0  }
0x81: {  	s7 =	simm.s32 $0x3880;
	[sflag:s30] =	ssyncadd.s32 $0xFFFFF800  }
0x82: {  	[hbm4b:s5+s14] =	stream.indirect.scatter [tilespmem:s25], [sflag:$0x2], $0x10, s7, s14, $0xb8;
	[tilespmem:$0x10A80] =	vst v63  }
0x83: {  	_ =	swait.ge [sflag:s30], $0x800  }
0x84: {  	[sflag:s30] =	ssyncset.done $0x0  }
0x85: {  	s8 =	simm.s32 $0x3900;
	[sflag:s30] =	ssyncadd.s32 $0xFFFFF800  }
0x86: {  	[hbm4b:s5+s14] =	stream.indirect.scatter [tilespmem:s26], [sflag:$0x2], $0x10, s8, s14, $0xb8;
	[tilespmem:$0x10A80] =	vst v63  }
0x87: {  	_ =	swait.ge [sflag:s30], $0x800  }
0x88: {  	[sflag:s30] =	ssyncset.done $0x0  }
0x89: {  	s9 =	simm.s32 $0x3980;
	[sflag:s30] =	ssyncadd.s32 $0xFFFFF800  }
0x8a: {  	[hbm4b:s5+s14] =	stream.indirect.scatter [tilespmem:s28], [sflag:$0x2], $0x10, s9, s14, $0xb8;
	[tilespmem:$0x10A80] =	vst v63  }
0x8b: {  	_ =	swait.ge [sflag:s30], $0x800  }
0x8c: {  	[sflag:s30] =	ssyncset.done $0x0  }
0x8d: {  	s10 =	simm.s32 $0x3A00;
	[sflag:s30] =	ssyncadd.s32 $0xFFFFF800  }
0x8e: {  	[hbm4b:s5+s14] =	stream.indirect.scatter [tilespmem:s29], [sflag:$0x2], $0x10, s10, s14, $0xb8;
	[tilespmem:$0x10A80] =	vst v63  }
0x8f: {  	_ =	swait.ge [sflag:s31], $0x80  }
0x90: {  	[sflag:s31] =	ssyncset.done $0x0  }
0x91: {  	[sflag:s31] =	ssyncadd.s32 $0xFFFFFF80  }
0x92: {  	_ =	swait.ge [sflag:s31], $0x80  }
0x93: {  	[sflag:s31] =	ssyncset.done $0x0  }
0x94: {  	[sflag:s31] =	ssyncadd.s32 $0xFFFFFF80  }
0x95: {  	_ =	swait.ge [sflag:s31], $0x80  }
0x96: {  	[sflag:s31] =	ssyncset.done $0x0  }
0x97: {  	[sflag:s31] =	ssyncadd.s32 $0xFFFFFF80  }
0x98: {  	_ =	swait.ge [sflag:s31], $0x80  }
0x99: {  	[sflag:s31] =	ssyncset.done $0x0  }
0x9a: {  	[sflag:s31] =	ssyncadd.s32 $0xFFFFFF80  }
0x9b: {  	_ =	swait.ge [sflag:s31], $0x80  }
0x9c: {  	[sflag:s31] =	ssyncset.done $0x0  }
0x9d: {  	[sflag:s31] =	ssyncadd.s32 $0xFFFFFF80  }
0x9e: {  	_ =	swait.ge [sflag:s31], $0x80  }
0x9f: {  	[sflag:s31] =	ssyncset.done $0x0  }
0xa0: {  	[sflag:s31] =	ssyncadd.s32 $0xFFFFFF80  }
0xa1: {  	_ =	swait.ge [sflag:s31], $0x80  }
0xa2: {  	[sflag:s31] =	ssyncset.done $0x0  }
0xa3: {  	[sflag:s31] =	ssyncadd.s32 $0xFFFFFF80  }
0xa4: {  	_ =	swait.ge [sflag:s31], $0x80  }
0xa5: {  	[sflag:s31] =	ssyncset.done $0x0  }
0xa6: {  	[sflag:s31] =	ssyncadd.s32 $0xFFFFFF80  }
0xa7: {  	_ =	swait.ge [sflag:s31], $0x80  }
0xa8: {  	[sflag:s31] =	ssyncset.done $0x0  }
0xa9: {  	[sflag:s31] =	ssyncadd.s32 $0xFFFFFF80  }
0xaa: {  	_ =	swait.ge [sflag:s31], $0x80  }
0xab: {  	[sflag:s31] =	ssyncset.done $0x0  }
0xac: {  	[sflag:s31] =	ssyncadd.s32 $0xFFFFFF80  }
0xad: {  	_ =	swait.ge [sflag:s31], $0x80  }
0xae: {  	[sflag:s31] =	ssyncset.done $0x0  }
0xaf: {  	[sflag:s31] =	ssyncadd.s32 $0xFFFFFF80  }
0xb0: {  	_ =	swait.ge [sflag:s31], $0x80  }
0xb1: {  	[sflag:s31] =	ssyncset.done $0x0  }
0xb2: {  	[sflag:s31] =	ssyncadd.s32 $0xFFFFFF80  }
0xb3: {  	_ =	swait.ge [sflag:s31], $0x80  }
0xb4: {  	[sflag:s31] =	ssyncset.done $0x0  }
0xb5: {  	s12 =	rddreg [dreg:$0x12];
	[sflag:s31] =	ssyncadd.s32 $0xFFFFFF80  }
0xb6: {  	[hbm4b:s12+s2] =	stream.linear.scatter [tilespmem:s15], [sflag:$0x4], $0x680, $0x38;
	[tilespmem:$0x10A80] =	vst v63  }
0xb7: {  	_ =	swait.ge [sflag:s11], $0x680  }
0xb8: {  	[sflag:s11] =	ssyncset.done $0x0  }
0xb9: {  	[sflag:s11] =	ssyncadd.s32 $0xFFFFF980  }
0xba: {  	_ =	swait.ge [sflag:s1], $0x800  }
0xbb: {  	[sflag:s1] =	ssyncset.done $0x0  }
0xbc: {  	[sflag:s1] =	ssyncadd.s32 $0xFFFFF800  }
0xbd: {  	_ =	swait.ge [sflag:s1], $0x800  }
0xbe: {  	[sflag:s1] =	ssyncset.done $0x0  }
0xbf: {  	[sflag:s1] =	ssyncadd.s32 $0xFFFFF800  }
0xc0: {  	_ =	swait.ge [sflag:s1], $0x800  }
0xc1: {  	[sflag:s1] =	ssyncset.done $0x0  }
0xc2: {  	[sflag:s1] =	ssyncadd.s32 $0xFFFFF800  }
0xc3: {  	_ =	swait.ge [sflag:s1], $0x800  }
0xc4: {  	[sflag:s1] =	ssyncset.done $0x0  }
0xc5: {  	[sflag:s1] =	ssyncadd.s32 $0xFFFFF800  }
0xc6: {  	_ =	swait.ge [sflag:s1], $0x800  }
0xc7: {  	[sflag:s1] =	ssyncset.done $0x0  }
0xc8: {  	[sflag:s1] =	ssyncadd.s32 $0xFFFFF800  }
0xc9: {  	_ =	swait.ge [sflag:s1], $0x800  }
0xca: {  	[sflag:s1] =	ssyncset.done $0x0  }
0xcb: {  	[sflag:s1] =	ssyncadd.s32 $0xFFFFF800  }
0xcc: {  	_ =	swait.ge [sflag:s1], $0x800  }
0xcd: {  	[sflag:s1] =	ssyncset.done $0x0  }
0xce: {  	[sflag:s1] =	ssyncadd.s32 $0xFFFFF800  }
0xcf: {  	_ =	swait.ge [sflag:s1], $0x800  }
0xd0: {  	[sflag:s1] =	ssyncset.done $0x0  }
0xd1: {  	[sflag:s1] =	ssyncadd.s32 $0xFFFFF800  }
0xd2: {  	_ =	swait.ge [sflag:s1], $0x800  }
0xd3: {  	[sflag:s1] =	ssyncset.done $0x0  }
0xd4: {  	[sflag:s1] =	ssyncadd.s32 $0xFFFFF800  }
0xd5: {  	_ =	swait.ge [sflag:s1], $0x800  }
0xd6: {  	[sflag:s1] =	ssyncset.done $0x0  }
0xd7: {  	[sflag:s1] =	ssyncadd.s32 $0xFFFFF800  }
0xd8: {  	_ =	swait.ge [sflag:s1], $0x800  }
0xd9: {  	[sflag:s1] =	ssyncset.done $0x0  }
0xda: {  	[sflag:s1] =	ssyncadd.s32 $0xFFFFF800  }
0xdb: {  	_ =	swait.ge [sflag:s1], $0x800  }
0xdc: {  	[sflag:s1] =	ssyncset.done $0x0  }
0xdd: {  	[sflag:s1] =	ssyncadd.s32 $0xFFFFF800  }
0xde: {  	s13 =	simm.s32 $0x3400;
	s7 =	simm.s32 $0x680;
	_ =	swait.ge [sflag:s1], $0x800  }
0xdf: {  	s12 =	sadd.s32 $0xD0, s12;
	s8 =	rddreg [dreg:$0x2];
	[sflag:s1] =	ssyncset.done $0x0  }
.LBB2_2:
0xe0: {  	s10 =	sadd.s32 $0x6800, s7;
	[sflag:s1] =	ssyncadd.s32 $0xFFFFF800  }
0xe1: {  	[tilespmem:s15], [sflag:$0x3] =	stream.indirect.gather [hbm4b:s4+s14], $0x1, s10, s14, $0xb8;
	[tilespmem:$0x10A80] =	vst v63  }
0xe2: {  	s6 =	smov.u32 s13;
	s9 =	sadd.s32 $0x1A00, s13;
	s10 =	sadd.s32 $0x6880, s7  }
0xe3: {  	[tilespmem:s8], [sflag:$0x3] =	stream.indirect.gather [hbm4b:s4+s14], $0x1, s10, s14, $0xb8;
	[tilespmem:$0x10A80] =	vst v63  }
0xe4: {  	p0 =	sne.s32 s13, $0xB600;
	s13 =	rddreg [dreg:$0x3];
	s8 =	sadd.s32 $0x6900, s7  }
0xe5: {  	[tilespmem:s13], [sflag:$0x3] =	stream.indirect.gather [hbm4b:s4+s14], $0x1, s8, s14, $0xb8;
	[tilespmem:$0x10A80] =	vst v63  }
0xe6: {  	s10 =	rddreg [dreg:$0x4];
	s8 =	sadd.s32 $0x6980, s7  }
0xe7: {  	[tilespmem:s10], [sflag:$0x3] =	stream.indirect.gather [hbm4b:s4+s14], $0x1, s8, s14, $0xb8;
	[tilespmem:$0x10A80] =	vst v63  }
0xe8: {  	s13 =	rddreg [dreg:$0x5];
	s8 =	sadd.s32 $0x6A00, s7  }
0xe9: {  	[tilespmem:s13], [sflag:$0x3] =	stream.indirect.gather [hbm4b:s4+s14], $0x1, s8, s14, $0xb8;
	[tilespmem:$0x10A80] =	vst v63  }
0xea: {  	s10 =	rddreg [dreg:$0x6];
	s8 =	sadd.s32 $0x6A80, s7  }
0xeb: {  	[tilespmem:s10], [sflag:$0x3] =	stream.indirect.gather [hbm4b:s4+s14], $0x1, s8, s14, $0xb8;
	[tilespmem:$0x10A80] =	vst v63  }
0xec: {  	s13 =	rddreg [dreg:$0x7];
	s8 =	sadd.s32 $0x6B00, s7  }
0xed: {  	[tilespmem:s13], [sflag:$0x3] =	stream.indirect.gather [hbm4b:s4+s14], $0x1, s8, s14, $0xb8;
	[tilespmem:$0x10A80] =	vst v63  }
0xee: {  	s10 =	rddreg [dreg:$0x8];
	s8 =	sadd.s32 $0x6B80, s7  }
0xef: {  	[tilespmem:s10], [sflag:$0x3] =	stream.indirect.gather [hbm4b:s4+s14], $0x1, s8, s14, $0xb8;
	[tilespmem:$0x10A80] =	vst v63  }
0xf0: {  	s13 =	rddreg [dreg:$0x9];
	s8 =	sadd.s32 $0x6C00, s7  }
0xf1: {  	[tilespmem:s13], [sflag:$0x3] =	stream.indirect.gather [hbm4b:s4+s14], $0x1, s8, s14, $0xb8;
	[tilespmem:$0x10A80] =	vst v63  }
0xf2: {  	s10 =	rddreg [dreg:$0xa];
	s8 =	sadd.s32 $0x6C80, s7  }
0xf3: {  	[tilespmem:s10], [sflag:$0x3] =	stream.indirect.gather [hbm4b:s4+s14], $0x1, s8, s14, $0xb8;
	[tilespmem:$0x10A80] =	vst v63  }
0xf4: {  	s13 =	rddreg [dreg:$0xb];
	s8 =	sadd.s32 $0x6D00, s7  }
0xf5: {  	[tilespmem:s13], [sflag:$0x3] =	stream.indirect.gather [hbm4b:s4+s14], $0x1, s8, s14, $0xb8;
	[tilespmem:$0x10A80] =	vst v63  }
0xf6: {  	s10 =	rddreg [dreg:$0xc];
	s8 =	sadd.s32 $0x6D80, s7  }
0xf7: {  	[tilespmem:s10], [sflag:$0x3] =	stream.indirect.gather [hbm4b:s4+s14], $0x1, s8, s14, $0xb8;
	[tilespmem:$0x10A80] =	vst v63  }
0xf8: {  	s13 =	rddreg [dreg:$0xd];
	s10 =	sadd.s32 $0x6E00, s7  }
0xf9: {  	[tilespmem:s13], [sflag:$0x3] =	stream.indirect.gather [hbm4b:s4+s14], $0x1, s10, s14, $0xb8;
	[tilespmem:$0x10A80] =	vst v63  }
0xfa: {  	_ = 	snop  }
0xfb: {  	[tilespmem:s16], [sflag:$0x1] =	stream.indirect.gather [hbm4b:s3+s14], $0x10, s7, s14, $0xb8;
	[tilespmem:$0x10A80] =	vst v63  }
0xfc: {  	s13 =	sadd.s32 $0x80, s7  }
0xfd: {  	[tilespmem:s17], [sflag:$0x1] =	stream.indirect.gather [hbm4b:s3+s14], $0x10, s13, s14, $0xb8;
	[tilespmem:$0x10A80] =	vst v63  }
0xfe: {  	s10 =	sadd.s32 $0x100, s7  }
0xff: {  	[tilespmem:s18], [sflag:$0x1] =	stream.indirect.gather [hbm4b:s3+s14], $0x10, s10, s14, $0xb8;
	[tilespmem:$0x10A80] =	vst v63  }
0x100: {  	s13 =	sadd.s32 $0x180, s7  }
0x101: {  	[tilespmem:s19], [sflag:$0x1] =	stream.indirect.gather [hbm4b:s3+s14], $0x10, s13, s14, $0xb8;
	[tilespmem:$0x10A80] =	vst v63  }
0x102: {  	s10 =	sadd.s32 $0x200, s7  }
0x103: {  	[tilespmem:s20], [sflag:$0x1] =	stream.indirect.gather [hbm4b:s3+s14], $0x10, s10, s14, $0xb8;
	[tilespmem:$0x10A80] =	vst v63  }
0x104: {  	s13 =	sadd.s32 $0x280, s7  }
0x105: {  	[tilespmem:s21], [sflag:$0x1] =	stream.indirect.gather [hbm4b:s3+s14], $0x10, s13, s14, $0xb8;
	[tilespmem:$0x10A80] =	vst v63  }
0x106: {  	s10 =	sadd.s32 $0x300, s7  }
0x107: {  	[tilespmem:s22], [sflag:$0x1] =	stream.indirect.gather [hbm4b:s3+s14], $0x10, s10, s14, $0xb8;
	[tilespmem:$0x10A80] =	vst v63  }
0x108: {  	s13 =	sadd.s32 $0x380, s7  }
0x109: {  	[tilespmem:s23], [sflag:$0x1] =	stream.indirect.gather [hbm4b:s3+s14], $0x10, s13, s14, $0xb8;
	[tilespmem:$0x10A80] =	vst v63  }
0x10a: {  	s10 =	sadd.s32 $0x400, s7  }
0x10b: {  	[tilespmem:s24], [sflag:$0x1] =	stream.indirect.gather [hbm4b:s3+s14], $0x10, s10, s14, $0xb8;
	[tilespmem:$0x10A80] =	vst v63  }
0x10c: {  	s13 =	sadd.s32 $0x480, s7  }
0x10d: {  	[tilespmem:s25], [sflag:$0x1] =	stream.indirect.gather [hbm4b:s3+s14], $0x10, s13, s14, $0xb8;
	[tilespmem:$0x10A80] =	vst v63  }
0x10e: {  	s10 =	sadd.s32 $0x500, s7  }
0x10f: {  	[tilespmem:s26], [sflag:$0x1] =	stream.indirect.gather [hbm4b:s3+s14], $0x10, s10, s14, $0xb8;
	[tilespmem:$0x10A80] =	vst v63  }
0x110: {  	s13 =	sadd.s32 $0x580, s7  }
0x111: {  	[tilespmem:s28], [sflag:$0x1] =	stream.indirect.gather [hbm4b:s3+s14], $0x10, s13, s14, $0xb8;
	[tilespmem:$0x10A80] =	vst v63  }
0x112: {  	s10 =	sadd.s32 $0x600, s7  }
0x113: {  	[tilespmem:s29], [sflag:$0x1] =	stream.indirect.gather [hbm4b:s3+s14], $0x10, s10, s14, $0xb8;
	[tilespmem:$0x10A80] =	vst v63  }
0x114: {  	_ =	swait.ge [sflag:s30], $0x800  }
0x115: {  	[sflag:s30] =	ssyncset.done $0x0  }
0x116: {  	s13 =	sadd.s32 $0x3400, s7;
	[sflag:s30] =	ssyncadd.s32 $0xFFFFF800  }
0x117: {  	[hbm4b:s5+s14] =	stream.indirect.scatter [tilespmem:s16], [sflag:$0x2], $0x10, s13, s14, $0xb8;
	[tilespmem:$0x10A80] =	vst v63  }
0x118: {  	_ =	swait.ge [sflag:s30], $0x800  }
0x119: {  	[sflag:s30] =	ssyncset.done $0x0  }
0x11a: {  	s10 =	sadd.s32 $0x3480, s7;
	[sflag:s30] =	ssyncadd.s32 $0xFFFFF800  }
0x11b: {  	[hbm4b:s5+s14] =	stream.indirect.scatter [tilespmem:s17], [sflag:$0x2], $0x10, s10, s14, $0xb8;
	[tilespmem:$0x10A80] =	vst v63  }
0x11c: {  	_ =	swait.ge [sflag:s30], $0x800  }
0x11d: {  	[sflag:s30] =	ssyncset.done $0x0  }
0x11e: {  	s13 =	sadd.s32 $0x3500, s7;
	[sflag:s30] =	ssyncadd.s32 $0xFFFFF800  }
0x11f: {  	[hbm4b:s5+s14] =	stream.indirect.scatter [tilespmem:s18], [sflag:$0x2], $0x10, s13, s14, $0xb8;
	[tilespmem:$0x10A80] =	vst v63  }
0x120: {  	_ =	swait.ge [sflag:s30], $0x800  }
0x121: {  	[sflag:s30] =	ssyncset.done $0x0  }
0x122: {  	s10 =	sadd.s32 $0x3580, s7;
	[sflag:s30] =	ssyncadd.s32 $0xFFFFF800  }
0x123: {  	[hbm4b:s5+s14] =	stream.indirect.scatter [tilespmem:s19], [sflag:$0x2], $0x10, s10, s14, $0xb8;
	[tilespmem:$0x10A80] =	vst v63  }
0x124: {  	_ =	swait.ge [sflag:s30], $0x800  }
0x125: {  	[sflag:s30] =	ssyncset.done $0x0  }
0x126: {  	s13 =	sadd.s32 $0x3600, s7;
	[sflag:s30] =	ssyncadd.s32 $0xFFFFF800  }
0x127: {  	[hbm4b:s5+s14] =	stream.indirect.scatter [tilespmem:s20], [sflag:$0x2], $0x10, s13, s14, $0xb8;
	[tilespmem:$0x10A80] =	vst v63  }
0x128: {  	_ =	swait.ge [sflag:s30], $0x800  }
0x129: {  	[sflag:s30] =	ssyncset.done $0x0  }
0x12a: {  	s10 =	sadd.s32 $0x3680, s7;
	[sflag:s30] =	ssyncadd.s32 $0xFFFFF800  }
0x12b: {  	[hbm4b:s5+s14] =	stream.indirect.scatter [tilespmem:s21], [sflag:$0x2], $0x10, s10, s14, $0xb8;
	[tilespmem:$0x10A80] =	vst v63  }
0x12c: {  	_ =	swait.ge [sflag:s30], $0x800  }
0x12d: {  	[sflag:s30] =	ssyncset.done $0x0  }
0x12e: {  	s13 =	sadd.s32 $0x3700, s7;
	[sflag:s30] =	ssyncadd.s32 $0xFFFFF800  }
0x12f: {  	[hbm4b:s5+s14] =	stream.indirect.scatter [tilespmem:s22], [sflag:$0x2], $0x10, s13, s14, $0xb8;
	[tilespmem:$0x10A80] =	vst v63  }
0x130: {  	_ =	swait.ge [sflag:s30], $0x800  }
0x131: {  	[sflag:s30] =	ssyncset.done $0x0  }
0x132: {  	s10 =	sadd.s32 $0x3780, s7;
	[sflag:s30] =	ssyncadd.s32 $0xFFFFF800  }
0x133: {  	[hbm4b:s5+s14] =	stream.indirect.scatter [tilespmem:s23], [sflag:$0x2], $0x10, s10, s14, $0xb8;
	[tilespmem:$0x10A80] =	vst v63  }
0x134: {  	_ =	swait.ge [sflag:s30], $0x800  }
0x135: {  	[sflag:s30] =	ssyncset.done $0x0  }
0x136: {  	s13 =	sadd.s32 $0x3800, s7;
	[sflag:s30] =	ssyncadd.s32 $0xFFFFF800  }
0x137: {  	[hbm4b:s5+s14] =	stream.indirect.scatter [tilespmem:s24], [sflag:$0x2], $0x10, s13, s14, $0xb8;
	[tilespmem:$0x10A80] =	vst v63  }
0x138: {  	_ =	swait.ge [sflag:s30], $0x800  }
0x139: {  	[sflag:s30] =	ssyncset.done $0x0  }
0x13a: {  	s10 =	sadd.s32 $0x3880, s7;
	[sflag:s30] =	ssyncadd.s32 $0xFFFFF800  }
0x13b: {  	[hbm4b:s5+s14] =	stream.indirect.scatter [tilespmem:s25], [sflag:$0x2], $0x10, s10, s14, $0xb8;
	[tilespmem:$0x10A80] =	vst v63  }
0x13c: {  	_ =	swait.ge [sflag:s30], $0x800  }
0x13d: {  	[sflag:s30] =	ssyncset.done $0x0  }
0x13e: {  	s13 =	sadd.s32 $0x3900, s7;
	[sflag:s30] =	ssyncadd.s32 $0xFFFFF800  }
0x13f: {  	[hbm4b:s5+s14] =	stream.indirect.scatter [tilespmem:s26], [sflag:$0x2], $0x10, s13, s14, $0xb8;
	[tilespmem:$0x10A80] =	vst v63  }
0x140: {  	_ =	swait.ge [sflag:s30], $0x800  }
0x141: {  	[sflag:s30] =	ssyncset.done $0x0  }
0x142: {  	s10 =	sadd.s32 $0x3980, s7;
	[sflag:s30] =	ssyncadd.s32 $0xFFFFF800  }
0x143: {  	[hbm4b:s5+s14] =	stream.indirect.scatter [tilespmem:s28], [sflag:$0x2], $0x10, s10, s14, $0xb8;
	[tilespmem:$0x10A80] =	vst v63  }
0x144: {  	_ =	swait.ge [sflag:s30], $0x800  }
0x145: {  	[sflag:s30] =	ssyncset.done $0x0  }
0x146: {  	s13 =	sadd.s32 $0x3A00, s7;
	[sflag:s30] =	ssyncadd.s32 $0xFFFFF800  }
0x147: {  	[hbm4b:s5+s14] =	stream.indirect.scatter [tilespmem:s29], [sflag:$0x2], $0x10, s13, s14, $0xb8;
	[tilespmem:$0x10A80] =	vst v63  }
0x148: {  	_ =	swait.ge [sflag:s31], $0x80  }
0x149: {  	[sflag:s31] =	ssyncset.done $0x0  }
0x14a: {  	[sflag:s31] =	ssyncadd.s32 $0xFFFFFF80  }
0x14b: {  	_ =	swait.ge [sflag:s31], $0x80  }
0x14c: {  	[sflag:s31] =	ssyncset.done $0x0  }
0x14d: {  	[sflag:s31] =	ssyncadd.s32 $0xFFFFFF80  }
0x14e: {  	_ =	swait.ge [sflag:s31], $0x80  }
0x14f: {  	[sflag:s31] =	ssyncset.done $0x0  }
0x150: {  	[sflag:s31] =	ssyncadd.s32 $0xFFFFFF80  }
0x151: {  	_ =	swait.ge [sflag:s31], $0x80  }
0x152: {  	[sflag:s31] =	ssyncset.done $0x0  }
0x153: {  	[sflag:s31] =	ssyncadd.s32 $0xFFFFFF80  }
0x154: {  	_ =	swait.ge [sflag:s31], $0x80  }
0x155: {  	[sflag:s31] =	ssyncset.done $0x0  }
0x156: {  	[sflag:s31] =	ssyncadd.s32 $0xFFFFFF80  }
0x157: {  	_ =	swait.ge [sflag:s31], $0x80  }
0x158: {  	[sflag:s31] =	ssyncset.done $0x0  }
0x159: {  	[sflag:s31] =	ssyncadd.s32 $0xFFFFFF80  }
0x15a: {  	_ =	swait.ge [sflag:s31], $0x80  }
0x15b: {  	[sflag:s31] =	ssyncset.done $0x0  }
0x15c: {  	[sflag:s31] =	ssyncadd.s32 $0xFFFFFF80  }
0x15d: {  	_ =	swait.ge [sflag:s31], $0x80  }
0x15e: {  	[sflag:s31] =	ssyncset.done $0x0  }
0x15f: {  	[sflag:s31] =	ssyncadd.s32 $0xFFFFFF80  }
0x160: {  	_ =	swait.ge [sflag:s31], $0x80  }
0x161: {  	[sflag:s31] =	ssyncset.done $0x0  }
0x162: {  	[sflag:s31] =	ssyncadd.s32 $0xFFFFFF80  }
0x163: {  	_ =	swait.ge [sflag:s31], $0x80  }
0x164: {  	[sflag:s31] =	ssyncset.done $0x0  }
0x165: {  	[sflag:s31] =	ssyncadd.s32 $0xFFFFFF80  }
0x166: {  	_ =	swait.ge [sflag:s31], $0x80  }
0x167: {  	[sflag:s31] =	ssyncset.done $0x0  }
0x168: {  	[sflag:s31] =	ssyncadd.s32 $0xFFFFFF80  }
0x169: {  	_ =	swait.ge [sflag:s31], $0x80  }
0x16a: {  	[sflag:s31] =	ssyncset.done $0x0  }
0x16b: {  	[sflag:s31] =	ssyncadd.s32 $0xFFFFFF80  }
0x16c: {  	_ =	swait.ge [sflag:s31], $0x80  }
0x16d: {  	[sflag:s31] =	ssyncset.done $0x0  }
0x16e: {  	[sflag:s31] =	ssyncadd.s32 $0xFFFFFF80  }
0x16f: {  	[hbm4b:s12+s2] =	stream.linear.scatter [tilespmem:s15], [sflag:$0x4], $0x680, $0x38;
	[tilespmem:$0x10A80] =	vst v63  }
0x170: {  	_ =	swait.ge [sflag:s11], $0x680  }
0x171: {  	[sflag:s11] =	ssyncset.done $0x0  }
0x172: {  	[sflag:s11] =	ssyncadd.s32 $0xFFFFF980  }
0x173: {  	_ =	swait.ge [sflag:s1], $0x800  }
0x174: {  	[sflag:s1] =	ssyncset.done $0x0  }
0x175: {  	[sflag:s1] =	ssyncadd.s32 $0xFFFFF800  }
0x176: {  	_ =	swait.ge [sflag:s1], $0x800  }
0x177: {  	[sflag:s1] =	ssyncset.done $0x0  }
0x178: {  	[sflag:s1] =	ssyncadd.s32 $0xFFFFF800  }
0x179: {  	_ =	swait.ge [sflag:s1], $0x800  }
0x17a: {  	[sflag:s1] =	ssyncset.done $0x0  }
0x17b: {  	[sflag:s1] =	ssyncadd.s32 $0xFFFFF800  }
0x17c: {  	_ =	swait.ge [sflag:s1], $0x800  }
0x17d: {  	[sflag:s1] =	ssyncset.done $0x0  }
0x17e: {  	[sflag:s1] =	ssyncadd.s32 $0xFFFFF800  }
0x17f: {  	_ =	swait.ge [sflag:s1], $0x800  }
0x180: {  	[sflag:s1] =	ssyncset.done $0x0  }
0x181: {  	[sflag:s1] =	ssyncadd.s32 $0xFFFFF800  }
0x182: {  	_ =	swait.ge [sflag:s1], $0x800  }
0x183: {  	[sflag:s1] =	ssyncset.done $0x0  }
0x184: {  	[sflag:s1] =	ssyncadd.s32 $0xFFFFF800  }
0x185: {  	_ =	swait.ge [sflag:s1], $0x800  }
0x186: {  	[sflag:s1] =	ssyncset.done $0x0  }
0x187: {  	[sflag:s1] =	ssyncadd.s32 $0xFFFFF800  }
0x188: {  	_ =	swait.ge [sflag:s1], $0x800  }
0x189: {  	[sflag:s1] =	ssyncset.done $0x0  }
0x18a: {  	[sflag:s1] =	ssyncadd.s32 $0xFFFFF800  }
0x18b: {  	_ =	swait.ge [sflag:s1], $0x800  }
0x18c: {  	[sflag:s1] =	ssyncset.done $0x0  }
0x18d: {  	[sflag:s1] =	ssyncadd.s32 $0xFFFFF800  }
0x18e: {  	_ =	swait.ge [sflag:s1], $0x800  }
0x18f: {  	[sflag:s1] =	ssyncset.done $0x0  }
0x190: {  	[sflag:s1] =	ssyncadd.s32 $0xFFFFF800  }
0x191: {  	_ =	swait.ge [sflag:s1], $0x800  }
0x192: {  	[sflag:s1] =	ssyncset.done $0x0  }
0x193: {  	[sflag:s1] =	ssyncadd.s32 $0xFFFFF800  }
.Ltmp0:
0x194: {  	_ =	swait.ge [sflag:s1], $0x800;
	(pc) =	sbr.rel @p0 .LBB2_2-.Ltmp0, $4  }
0x195: {  	[sflag:s1] =	ssyncset.done $0x0  }
0x196: {  	[sflag:s1] =	ssyncadd.s32 $0xFFFFF800  }
0x197: {  	s7 =	sshra.s32 s6, $0x2;
	s13 =	smov.u32 s9;
	_ =	swait.ge [sflag:s1], $0x800  }
0x198: {  	s12 =	sadd.s32 $0xD0, s12;
	s8 =	rddreg [dreg:$0x2];
	[sflag:s1] =	ssyncset.done $0x0  }
0x199: {  	s6 =	sadd.s32 $0x6800, s7;
	[sflag:s1] =	ssyncadd.s32 $0xFFFFF800  }
0x19a: {  	[tilespmem:s15], [sflag:$0x3] =	stream.indirect.gather [hbm4b:s4+s14], $0x1, s6, s14, $0xb8;
	[tilespmem:$0x10A80] =	vst v63  }
0x19b: {  	s13 =	sadd.s32 $0x6880, s7  }
0x19c: {  	[tilespmem:s8], [sflag:$0x3] =	stream.indirect.gather [hbm4b:s4+s14], $0x1, s13, s14, $0xb8;
	[tilespmem:$0x10A80] =	vst v63  }
0x19d: {  	s9 =	rddreg [dreg:$0x3];
	s10 =	sadd.s32 $0x6900, s7  }
0x19e: {  	[tilespmem:s9], [sflag:$0x3] =	stream.indirect.gather [hbm4b:s4+s14], $0x1, s10, s14, $0xb8;
	[tilespmem:$0x10A80] =	vst v63  }
0x19f: {  	s13 =	rddreg [dreg:$0x4];
	s9 =	sadd.s32 $0x6980, s7  }
0x1a0: {  	[tilespmem:s13], [sflag:$0x3] =	stream.indirect.gather [hbm4b:s4+s14], $0x1, s9, s14, $0xb8;
	[tilespmem:$0x10A80] =	vst v63  }
0x1a1: {  	s10 =	rddreg [dreg:$0x5];
	s13 =	sadd.s32 $0x6A00, s7  }
0x1a2: {  	[tilespmem:s10], [sflag:$0x3] =	stream.indirect.gather [hbm4b:s4+s14], $0x1, s13, s14, $0xb8;
	[tilespmem:$0x10A80] =	vst v63  }
0x1a3: {  	s8 =	rddreg [dreg:$0x6];
	s10 =	sadd.s32 $0x6A80, s7  }
0x1a4: {  	[tilespmem:s8], [sflag:$0x3] =	stream.indirect.gather [hbm4b:s4+s14], $0x1, s10, s14, $0xb8;
	[tilespmem:$0x10A80] =	vst v63  }
0x1a5: {  	s13 =	rddreg [dreg:$0x7];
	s8 =	sadd.s32 $0x6B00, s7  }
0x1a6: {  	[tilespmem:s13], [sflag:$0x3] =	stream.indirect.gather [hbm4b:s4+s14], $0x1, s8, s14, $0xb8;
	[tilespmem:$0x10A80] =	vst v63  }
0x1a7: {  	s10 =	rddreg [dreg:$0x8];
	s13 =	sadd.s32 $0x6B80, s7  }
0x1a8: {  	[tilespmem:s10], [sflag:$0x3] =	stream.indirect.gather [hbm4b:s4+s14], $0x1, s13, s14, $0xb8;
	[tilespmem:$0x10A80] =	vst v63  }
0x1a9: {  	s9 =	rddreg [dreg:$0x9];
	s10 =	sadd.s32 $0x6C00, s7  }
0x1aa: {  	[tilespmem:s9], [sflag:$0x3] =	stream.indirect.gather [hbm4b:s4+s14], $0x1, s10, s14, $0xb8;
	[tilespmem:$0x10A80] =	vst v63  }
0x1ab: {  	s13 =	rddreg [dreg:$0xa];
	s9 =	sadd.s32 $0x6C80, s7  }
0x1ac: {  	[tilespmem:s13], [sflag:$0x3] =	stream.indirect.gather [hbm4b:s4+s14], $0x1, s9, s14, $0xb8;
	[tilespmem:$0x10A80] =	vst v63  }
0x1ad: {  	s10 =	rddreg [dreg:$0xb];
	s13 =	sadd.s32 $0x6D00, s7  }
0x1ae: {  	[tilespmem:s10], [sflag:$0x3] =	stream.indirect.gather [hbm4b:s4+s14], $0x1, s13, s14, $0xb8;
	[tilespmem:$0x10A80] =	vst v63  }
0x1af: {  	s8 =	rddreg [dreg:$0xc];
	s10 =	sadd.s32 $0x6D80, s7  }
0x1b0: {  	[tilespmem:s8], [sflag:$0x3] =	stream.indirect.gather [hbm4b:s4+s14], $0x1, s10, s14, $0xb8;
	[tilespmem:$0x10A80] =	vst v63  }
0x1b1: {  	s13 =	rddreg [dreg:$0xd];
	s8 =	sadd.s32 $0x6E00, s7  }
0x1b2: {  	[tilespmem:s13], [sflag:$0x3] =	stream.indirect.gather [hbm4b:s4+s14], $0x1, s8, s14, $0xb8;
	[tilespmem:$0x10A80] =	vst v63  }
0x1b3: {  	_ = 	snop  }
0x1b4: {  	[tilespmem:s16], [sflag:$0x1] =	stream.indirect.gather [hbm4b:s3+s14], $0x10, s7, s14, $0xb8;
	[tilespmem:$0x10A80] =	vst v63  }
0x1b5: {  	s10 =	sadd.s32 $0x80, s7  }
0x1b6: {  	[tilespmem:s17], [sflag:$0x1] =	stream.indirect.gather [hbm4b:s3+s14], $0x10, s10, s14, $0xb8;
	[tilespmem:$0x10A80] =	vst v63  }
0x1b7: {  	s13 =	sadd.s32 $0x100, s7  }
0x1b8: {  	[tilespmem:s18], [sflag:$0x1] =	stream.indirect.gather [hbm4b:s3+s14], $0x10, s13, s14, $0xb8;
	[tilespmem:$0x10A80] =	vst v63  }
0x1b9: {  	s8 =	sadd.s32 $0x180, s7  }
0x1ba: {  	[tilespmem:s19], [sflag:$0x1] =	stream.indirect.gather [hbm4b:s3+s14], $0x10, s8, s14, $0xb8;
	[tilespmem:$0x10A80] =	vst v63  }
0x1bb: {  	s9 =	sadd.s32 $0x200, s7  }
0x1bc: {  	[tilespmem:s20], [sflag:$0x1] =	stream.indirect.gather [hbm4b:s3+s14], $0x10, s9, s14, $0xb8;
	[tilespmem:$0x10A80] =	vst v63  }
0x1bd: {  	s10 =	sadd.s32 $0x280, s7  }
0x1be: {  	[tilespmem:s21], [sflag:$0x1] =	stream.indirect.gather [hbm4b:s3+s14], $0x10, s10, s14, $0xb8;
	[tilespmem:$0x10A80] =	vst v63  }
0x1bf: {  	s13 =	sadd.s32 $0x300, s7  }
0x1c0: {  	[tilespmem:s22], [sflag:$0x1] =	stream.indirect.gather [hbm4b:s3+s14], $0x10, s13, s14, $0xb8;
	[tilespmem:$0x10A80] =	vst v63  }
0x1c1: {  	s8 =	sadd.s32 $0x380, s7  }
0x1c2: {  	[tilespmem:s23], [sflag:$0x1] =	stream.indirect.gather [hbm4b:s3+s14], $0x10, s8, s14, $0xb8;
	[tilespmem:$0x10A80] =	vst v63  }
0x1c3: {  	s9 =	sadd.s32 $0x400, s7  }
0x1c4: {  	[tilespmem:s24], [sflag:$0x1] =	stream.indirect.gather [hbm4b:s3+s14], $0x10, s9, s14, $0xb8;
	[tilespmem:$0x10A80] =	vst v63  }
0x1c5: {  	s10 =	sadd.s32 $0x480, s7  }
0x1c6: {  	[tilespmem:s25], [sflag:$0x1] =	stream.indirect.gather [hbm4b:s3+s14], $0x10, s10, s14, $0xb8;
	[tilespmem:$0x10A80] =	vst v63  }
0x1c7: {  	s13 =	sadd.s32 $0x500, s7  }
0x1c8: {  	[tilespmem:s26], [sflag:$0x1] =	stream.indirect.gather [hbm4b:s3+s14], $0x10, s13, s14, $0xb8;
	[tilespmem:$0x10A80] =	vst v63  }
0x1c9: {  	s8 =	sadd.s32 $0x580, s7  }
0x1ca: {  	[tilespmem:s28], [sflag:$0x1] =	stream.indirect.gather [hbm4b:s3+s14], $0x10, s8, s14, $0xb8;
	[tilespmem:$0x10A80] =	vst v63  }
0x1cb: {  	s9 =	sadd.s32 $0x600, s7  }
0x1cc: {  	[tilespmem:s29], [sflag:$0x1] =	stream.indirect.gather [hbm4b:s3+s14], $0x10, s9, s14, $0xb8;
	[tilespmem:$0x10A80] =	vst v63  }
0x1cd: {  	_ =	swait.ge [sflag:s30], $0x800  }
0x1ce: {  	[sflag:s30] =	ssyncset.done $0x0  }
0x1cf: {  	s10 =	sadd.s32 $0x3400, s7;
	[sflag:s30] =	ssyncadd.s32 $0xFFFFF800  }
0x1d0: {  	[hbm4b:s5+s14] =	stream.indirect.scatter [tilespmem:s16], [sflag:$0x2], $0x10, s10, s14, $0xb8;
	[tilespmem:$0x10A80] =	vst v63  }
0x1d1: {  	_ =	swait.ge [sflag:s30], $0x800  }
0x1d2: {  	[sflag:s30] =	ssyncset.done $0x0  }
0x1d3: {  	s13 =	sadd.s32 $0x3480, s7;
	[sflag:s30] =	ssyncadd.s32 $0xFFFFF800  }
0x1d4: {  	[hbm4b:s5+s14] =	stream.indirect.scatter [tilespmem:s17], [sflag:$0x2], $0x10, s13, s14, $0xb8;
	[tilespmem:$0x10A80] =	vst v63  }
0x1d5: {  	_ =	swait.ge [sflag:s30], $0x800  }
0x1d6: {  	[sflag:s30] =	ssyncset.done $0x0  }
0x1d7: {  	s8 =	sadd.s32 $0x3500, s7;
	[sflag:s30] =	ssyncadd.s32 $0xFFFFF800  }
0x1d8: {  	[hbm4b:s5+s14] =	stream.indirect.scatter [tilespmem:s18], [sflag:$0x2], $0x10, s8, s14, $0xb8;
	[tilespmem:$0x10A80] =	vst v63  }
0x1d9: {  	_ =	swait.ge [sflag:s30], $0x800  }
0x1da: {  	[sflag:s30] =	ssyncset.done $0x0  }
0x1db: {  	s9 =	sadd.s32 $0x3580, s7;
	[sflag:s30] =	ssyncadd.s32 $0xFFFFF800  }
0x1dc: {  	[hbm4b:s5+s14] =	stream.indirect.scatter [tilespmem:s19], [sflag:$0x2], $0x10, s9, s14, $0xb8;
	[tilespmem:$0x10A80] =	vst v63  }
0x1dd: {  	_ =	swait.ge [sflag:s30], $0x800  }
0x1de: {  	[sflag:s30] =	ssyncset.done $0x0  }
0x1df: {  	s10 =	sadd.s32 $0x3600, s7;
	[sflag:s30] =	ssyncadd.s32 $0xFFFFF800  }
0x1e0: {  	[hbm4b:s5+s14] =	stream.indirect.scatter [tilespmem:s20], [sflag:$0x2], $0x10, s10, s14, $0xb8;
	[tilespmem:$0x10A80] =	vst v63  }
0x1e1: {  	_ =	swait.ge [sflag:s30], $0x800  }
0x1e2: {  	[sflag:s30] =	ssyncset.done $0x0  }
0x1e3: {  	s13 =	sadd.s32 $0x3680, s7;
	[sflag:s30] =	ssyncadd.s32 $0xFFFFF800  }
0x1e4: {  	[hbm4b:s5+s14] =	stream.indirect.scatter [tilespmem:s21], [sflag:$0x2], $0x10, s13, s14, $0xb8;
	[tilespmem:$0x10A80] =	vst v63  }
0x1e5: {  	_ =	swait.ge [sflag:s30], $0x800  }
0x1e6: {  	[sflag:s30] =	ssyncset.done $0x0  }
0x1e7: {  	s8 =	sadd.s32 $0x3700, s7;
	[sflag:s30] =	ssyncadd.s32 $0xFFFFF800  }
0x1e8: {  	[hbm4b:s5+s14] =	stream.indirect.scatter [tilespmem:s22], [sflag:$0x2], $0x10, s8, s14, $0xb8;
	[tilespmem:$0x10A80] =	vst v63  }
0x1e9: {  	_ =	swait.ge [sflag:s30], $0x800  }
0x1ea: {  	[sflag:s30] =	ssyncset.done $0x0  }
0x1eb: {  	s9 =	sadd.s32 $0x3780, s7;
	[sflag:s30] =	ssyncadd.s32 $0xFFFFF800  }
0x1ec: {  	[hbm4b:s5+s14] =	stream.indirect.scatter [tilespmem:s23], [sflag:$0x2], $0x10, s9, s14, $0xb8;
	[tilespmem:$0x10A80] =	vst v63  }
0x1ed: {  	_ =	swait.ge [sflag:s30], $0x800  }
0x1ee: {  	[sflag:s30] =	ssyncset.done $0x0  }
0x1ef: {  	s10 =	sadd.s32 $0x3800, s7;
	[sflag:s30] =	ssyncadd.s32 $0xFFFFF800  }
0x1f0: {  	[hbm4b:s5+s14] =	stream.indirect.scatter [tilespmem:s24], [sflag:$0x2], $0x10, s10, s14, $0xb8;
	[tilespmem:$0x10A80] =	vst v63  }
0x1f1: {  	_ =	swait.ge [sflag:s30], $0x800  }
0x1f2: {  	[sflag:s30] =	ssyncset.done $0x0  }
0x1f3: {  	s13 =	sadd.s32 $0x3880, s7;
	[sflag:s30] =	ssyncadd.s32 $0xFFFFF800  }
0x1f4: {  	[hbm4b:s5+s14] =	stream.indirect.scatter [tilespmem:s25], [sflag:$0x2], $0x10, s13, s14, $0xb8;
	[tilespmem:$0x10A80] =	vst v63  }
0x1f5: {  	_ =	swait.ge [sflag:s30], $0x800  }
0x1f6: {  	[sflag:s30] =	ssyncset.done $0x0  }
0x1f7: {  	s8 =	sadd.s32 $0x3900, s7;
	[sflag:s30] =	ssyncadd.s32 $0xFFFFF800  }
0x1f8: {  	[hbm4b:s5+s14] =	stream.indirect.scatter [tilespmem:s26], [sflag:$0x2], $0x10, s8, s14, $0xb8;
	[tilespmem:$0x10A80] =	vst v63  }
0x1f9: {  	_ =	swait.ge [sflag:s30], $0x800  }
0x1fa: {  	[sflag:s30] =	ssyncset.done $0x0  }
0x1fb: {  	s9 =	sadd.s32 $0x3980, s7;
	[sflag:s30] =	ssyncadd.s32 $0xFFFFF800  }
0x1fc: {  	[hbm4b:s5+s14] =	stream.indirect.scatter [tilespmem:s28], [sflag:$0x2], $0x10, s9, s14, $0xb8;
	[tilespmem:$0x10A80] =	vst v63  }
0x1fd: {  	_ =	swait.ge [sflag:s30], $0x800  }
0x1fe: {  	[sflag:s30] =	ssyncset.done $0x0  }
0x1ff: {  	s10 =	sadd.s32 $0x3A00, s7;
	[sflag:s30] =	ssyncadd.s32 $0xFFFFF800  }
0x200: {  	[hbm4b:s5+s14] =	stream.indirect.scatter [tilespmem:s29], [sflag:$0x2], $0x10, s10, s14, $0xb8;
	[tilespmem:$0x10A80] =	vst v63  }
0x201: {  	_ =	swait.ge [sflag:s31], $0x80  }
0x202: {  	[sflag:s31] =	ssyncset.done $0x0  }
0x203: {  	[sflag:s31] =	ssyncadd.s32 $0xFFFFFF80  }
0x204: {  	_ =	swait.ge [sflag:s31], $0x80  }
0x205: {  	[sflag:s31] =	ssyncset.done $0x0  }
0x206: {  	[sflag:s31] =	ssyncadd.s32 $0xFFFFFF80  }
0x207: {  	_ =	swait.ge [sflag:s31], $0x80  }
0x208: {  	[sflag:s31] =	ssyncset.done $0x0  }
0x209: {  	[sflag:s31] =	ssyncadd.s32 $0xFFFFFF80  }
0x20a: {  	_ =	swait.ge [sflag:s31], $0x80  }
0x20b: {  	[sflag:s31] =	ssyncset.done $0x0  }
0x20c: {  	[sflag:s31] =	ssyncadd.s32 $0xFFFFFF80  }
0x20d: {  	_ =	swait.ge [sflag:s31], $0x80  }
0x20e: {  	[sflag:s31] =	ssyncset.done $0x0  }
0x20f: {  	[sflag:s31] =	ssyncadd.s32 $0xFFFFFF80  }
0x210: {  	_ =	swait.ge [sflag:s31], $0x80  }
0x211: {  	[sflag:s31] =	ssyncset.done $0x0  }
0x212: {  	[sflag:s31] =	ssyncadd.s32 $0xFFFFFF80  }
0x213: {  	_ =	swait.ge [sflag:s31], $0x80  }
0x214: {  	[sflag:s31] =	ssyncset.done $0x0  }
0x215: {  	[sflag:s31] =	ssyncadd.s32 $0xFFFFFF80  }
0x216: {  	_ =	swait.ge [sflag:s31], $0x80  }
0x217: {  	[sflag:s31] =	ssyncset.done $0x0  }
0x218: {  	[sflag:s31] =	ssyncadd.s32 $0xFFFFFF80  }
0x219: {  	_ =	swait.ge [sflag:s31], $0x80  }
0x21a: {  	[sflag:s31] =	ssyncset.done $0x0  }
0x21b: {  	[sflag:s31] =	ssyncadd.s32 $0xFFFFFF80  }
0x21c: {  	_ =	swait.ge [sflag:s31], $0x80  }
0x21d: {  	[sflag:s31] =	ssyncset.done $0x0  }
0x21e: {  	[sflag:s31] =	ssyncadd.s32 $0xFFFFFF80  }
0x21f: {  	_ =	swait.ge [sflag:s31], $0x80  }
0x220: {  	[sflag:s31] =	ssyncset.done $0x0  }
0x221: {  	[sflag:s31] =	ssyncadd.s32 $0xFFFFFF80  }
0x222: {  	_ =	swait.ge [sflag:s31], $0x80  }
0x223: {  	[sflag:s31] =	ssyncset.done $0x0  }
0x224: {  	[sflag:s31] =	ssyncadd.s32 $0xFFFFFF80  }
0x225: {  	_ =	swait.ge [sflag:s31], $0x80  }
0x226: {  	[sflag:s31] =	ssyncset.done $0x0  }
0x227: {  	[sflag:s31] =	ssyncadd.s32 $0xFFFFFF80  }
0x228: {  	[hbm4b:s12+s2] =	stream.linear.scatter [tilespmem:s15], [sflag:$0x4], $0x680, $0x38;
	[tilespmem:$0x10A80] =	vst v63  }
0x229: {  	_ =	swait.ge [sflag:s11], $0x680  }
0x22a: {  	[sflag:s11] =	ssyncset.done $0x0  }
0x22b: {  	[sflag:s11] =	ssyncadd.s32 $0xFFFFF980  }
0x22c: {  	_ =	swait.ge [sflag:s1], $0x800  }
0x22d: {  	[sflag:s1] =	ssyncset.done $0x0  }
0x22e: {  	[sflag:s1] =	ssyncadd.s32 $0xFFFFF800  }
0x22f: {  	_ =	swait.ge [sflag:s1], $0x800  }
0x230: {  	[sflag:s1] =	ssyncset.done $0x0  }
0x231: {  	[sflag:s1] =	ssyncadd.s32 $0xFFFFF800  }
0x232: {  	_ =	swait.ge [sflag:s1], $0x800  }
0x233: {  	[sflag:s1] =	ssyncset.done $0x0  }
0x234: {  	[sflag:s1] =	ssyncadd.s32 $0xFFFFF800  }
0x235: {  	_ =	swait.ge [sflag:s1], $0x800  }
0x236: {  	[sflag:s1] =	ssyncset.done $0x0  }
0x237: {  	[sflag:s1] =	ssyncadd.s32 $0xFFFFF800  }
0x238: {  	_ =	swait.ge [sflag:s1], $0x800  }
0x239: {  	[sflag:s1] =	ssyncset.done $0x0  }
0x23a: {  	[sflag:s1] =	ssyncadd.s32 $0xFFFFF800  }
0x23b: {  	_ =	swait.ge [sflag:s1], $0x800  }
0x23c: {  	[sflag:s1] =	ssyncset.done $0x0  }
0x23d: {  	[sflag:s1] =	ssyncadd.s32 $0xFFFFF800  }
0x23e: {  	_ =	swait.ge [sflag:s1], $0x800  }
0x23f: {  	[sflag:s1] =	ssyncset.done $0x0  }
0x240: {  	[sflag:s1] =	ssyncadd.s32 $0xFFFFF800  }
0x241: {  	_ =	swait.ge [sflag:s1], $0x800  }
0x242: {  	[sflag:s1] =	ssyncset.done $0x0  }
0x243: {  	[sflag:s1] =	ssyncadd.s32 $0xFFFFF800  }
0x244: {  	_ =	swait.ge [sflag:s1], $0x800  }
0x245: {  	[sflag:s1] =	ssyncset.done $0x0  }
0x246: {  	[sflag:s1] =	ssyncadd.s32 $0xFFFFF800  }
0x247: {  	_ =	swait.ge [sflag:s1], $0x800  }
0x248: {  	[sflag:s1] =	ssyncset.done $0x0  }
0x249: {  	[sflag:s1] =	ssyncadd.s32 $0xFFFFF800  }
0x24a: {  	_ =	swait.ge [sflag:s1], $0x800  }
0x24b: {  	[sflag:s1] =	ssyncset.done $0x0  }
0x24c: {  	[sflag:s1] =	ssyncadd.s32 $0xFFFFF800  }
0x24d: {  	_ =	swait.ge [sflag:s1], $0x800  }
0x24e: {  	[sflag:s1] =	ssyncset.done $0x0  }
0x24f: {  	[sflag:s1] =	ssyncadd.s32 $0xFFFFF800  }
0x250: {  	_ =	swait.ge [sflag:s1], $0x800  }
0x251: {  	s0 =	sadd.s32 $0x1, s0;
	s13 =	rddreg [dreg:$0x11]  }
0x252: {  	p0 =	sne.s32 s0, s13  }
.Ltmp1:
0x253: {  	_ = 	snop;
	(pc) =	sbr.rel @p0 .LBB2_1-.Ltmp1, $3  }
0x254: {  	_ =	sdelay $0x1  }
0x255: {  	[sflag:s1] =	ssyncset.done $0x0  }
0x256: {  	[sflag:s1] =	ssyncadd.s32 $0xFFFFF800  }
0x257: {  	_ =	sfence.sel $0x180000  }
0x258: {  	[bflag:$0x0] =	sbarrier.arrive $0xFFFF  }
0x259: {  	_ =	strace $0x90000047  }
0x25a: {  	s0 =	stileid.u32;
	[bflag:$0x2] =	sbarrier.arrive $0xFFFF  }
0x25b: {  	p0 =	sne.s32 s0, $0x0;
	s0 =	rddreg [dreg:$0x1]  }
0x25c: {  	s0 =	sadd.s32 @!p0 $0x100000, s0  }
0x25d: {  	[sflag:s0] =	ssyncadd.tile.s32 @!p0 $0x1;
	_ =	shalt  }
.Lfunc_end2:
_tile_overlayer_lowered:
.L_overlay_start_2:
0x25e: {  	(tag) =	ssettag $0x2  }
0x25f: {  	s0 =	rddreg [dreg:$0x0];
	s2 =	stileid.u32  }
0x260: {  	s1 =	rddreg [dreg:$0x1];
	p0 =	sne.s32 s2, $0x0  }
0x261: {  	s3 =	rddreg [dreg:$0x2];
	[bflag:$0x3] =	sbarrier.arrive $0xFFFF;
	s2 =	simm.s32 @!p0 $0x1C04  }
0x262: {  	[timem:s3], [sflag:s2] =	dma.local @!p0 [hbm:s0], s1  }
0x263: {  	s0 =	simm.s32 @!p0 $0x4  }
0x264: {  	_ =	swait.ge @!p0 [sflag:s0], s1  }
0x265: {  	s1 =	ssub.s32 @!p0 $0x0, s1;
	[sflag:s0] =	ssyncset.done @!p0 $0x0  }
0x266: {  	[sflag:s0] =	ssyncadd.s32 @!p0 s1  }
0x267: {  	[bflag:$0x3] =	sbarrier.arrive $0xFFFF  }
0x268: {  	_ =	shalt  }

</sc_bundles>
